<compile_context>
chip_gen: v7x
topology: tpu7x:2x2x1
jax: 0.10.2.dev20260603
libtpu: 0.0.44.dev20260713+nightly
codegen_flags: <defaults>
</compile_context>

<pallas_src>
import functools

import jax
import jax.numpy as jnp
from jax import lax
from jax.experimental import pallas as pl
from jax.experimental.pallas import tpu as pltpu
from jax.experimental.pallas import tpu_sc as plsc

_NC = 2
_NS = 16
_NW = _NC * _NS

_NB = 4


@functools.partial(jax.jit, static_argnames=("batch", "seq", "d_model"))
def _gather_sc(idx_flat, table, *, batch, seq, d_model):
    b_per_w = batch // _NW
    n_per_w = b_per_w * seq
    n_chunks = b_per_w
    assert n_chunks % (2 * _NB) == 0 and n_chunks >= 4 * _NB

    mesh = plsc.VectorSubcoreMesh(core_axis_name="c", subcore_axis_name="s")

    @functools.partial(
        pl.kernel,
        out_type=jax.ShapeDtypeStruct((batch, seq, d_model), jnp.float32),
        mesh=mesh,
        scratch_types=[
            pltpu.VMEM((n_per_w,), jnp.int32),
            [pltpu.VMEM((seq, d_model), jnp.float32) for _ in range(2 * _NB)],
            [pltpu.SemaphoreType.DMA for _ in range(2 * _NB)],
            [pltpu.SemaphoreType.DMA for _ in range(2 * _NB)],
        ],
        compiler_params=pltpu.CompilerParams(use_tc_tiling_on_sc=False),
    )
    def k(idx_hbm, table_hbm, out_hbm, idx_v, bufs, g_sems, o_sems):
        wid = lax.axis_index("s") * _NC + lax.axis_index("c")
        base = wid * n_per_w
        b0 = wid * b_per_w

        pltpu.sync_copy(idx_hbm.at[pl.ds(base, n_per_w)], idx_v)

        def fire_gather(j, s):
            pltpu.async_copy(
                table_hbm.at[idx_v.at[pl.ds(j * seq, seq)]],
                bufs[s],
                g_sems[s],
            )

        def wait_gather(s):
            pltpu.make_async_copy(
                table_hbm.at[idx_v.at[pl.ds(0, seq)]], bufs[s], g_sems[s]
            ).wait()

        def fire_put(j, s):
            pltpu.async_copy(bufs[s], out_hbm.at[b0 + j], o_sems[s])

        def wait_put(s):
            pltpu.make_async_copy(bufs[s], out_hbm.at[b0], o_sems[s]).wait()

        def half(j0, grp, fire, do_owait):
            for b in range(_NB):
                j = j0 + b
                s = grp * _NB + b
                ns = (1 - grp) * _NB + b
                if fire:
                    if do_owait is None:
                        wait_put(ns)
                    else:
                        @pl.when(do_owait)
                        def _():
                            wait_put(ns)

                    fire_gather(j + _NB, ns)
                wait_gather(s)
                fire_put(j, s)

        for b in range(_NB):
            fire_gather(b, b)

        @pl.loop(0, n_chunks - 2 * _NB, step=2 * _NB)
        def _body(j0):
            half(j0, 0, True, j0 != 0)
            half(j0 + _NB, 1, True, None)

        j0 = n_chunks - 2 * _NB
        half(j0, 0, True, None)
        half(j0 + _NB, 1, False, None)
        for s in range(2 * _NB):
            wait_put(s)

    return k(idx_flat, table)


def kernel(input_ids, table):
    batch, seq = input_ids.shape
    vocab, d_model = table.shape
    idx_flat = input_ids.reshape(batch * seq).astype(jnp.int32)
    return _gather_sc(idx_flat, table, batch=batch, seq=seq, d_model=d_model)

# --- scband reference (transcript-rebuilt; emitter-appended) ---
"""Pipeline reference for scband-positional-embedding-44495861186724 (READ-ONLY COPY).

The authoritative reference and input builder live on the scoring server;
editing this copy changes nothing except your own understanding.
"""

import jax, jax.numpy as jnp
import numpy as np

VOCAB = 1000000
D_MODEL = 64
BATCH = 4096
SEQ = 200


def setup_inputs(seed: int = 0) -> dict:
    key = jax.random.key(seed)
    k_idx, k_tab = jax.random.split(key)
    input_ids = jax.random.randint(k_idx, (BATCH, SEQ), 0, VOCAB, dtype=jnp.int64 if jax.config.jax_enable_x64 else jnp.int32)
    table = jax.random.normal(k_tab, (VOCAB, D_MODEL), dtype=jnp.float32) * 0.02
    return {"input_ids": input_ids, "table": table}


def reference(input_ids, table):
    # Keras Embedding lookup (mask_zero only affects mask propagation, not values).
    # Dropout is inactive at inference (training=False), so forward is a pure gather.
    x = jnp.take(table, input_ids, axis=0)
    return x

if __name__ == "__main__":
    import jax
    _d = setup_inputs()
    print(jax.jit(kernel)(*tuple(_d.values())))

</pallas_src>

<mosaic_0001>
#map = affine_map<(d0, d1) -> (0)>
#map1 = affine_map<(d0, d1) -> (0, 0)>
#map2 = affine_map<(d0, d1) -> (0, 0, 0)>
module attributes {stable_mosaic.version = 14 : i64} {
  func.func @k(%arg0: i32, %arg1: i32, %arg2: memref<819200xi32, #tpu.memory_space<hbm>>, %arg3: memref<1000000x64xf32, #tpu.memory_space<hbm>>, %arg4: memref<4096x200x64xf32, #tpu.memory_space<hbm>>, %arg5: memref<25600xi32, #tpu.memory_space<vmem>>, %arg6: memref<200x64xf32, #tpu.memory_space<vmem>>, %arg7: memref<200x64xf32, #tpu.memory_space<vmem>>, %arg8: memref<200x64xf32, #tpu.memory_space<vmem>>, %arg9: memref<200x64xf32, #tpu.memory_space<vmem>>, %arg10: memref<200x64xf32, #tpu.memory_space<vmem>>, %arg11: memref<200x64xf32, #tpu.memory_space<vmem>>, %arg12: memref<200x64xf32, #tpu.memory_space<vmem>>, %arg13: memref<200x64xf32, #tpu.memory_space<vmem>>, %arg14: memref<!tpu.dma_semaphore, #tpu.memory_space<semaphore_mem>>, %arg15: memref<!tpu.dma_semaphore, #tpu.memory_space<semaphore_mem>>, %arg16: memref<!tpu.dma_semaphore, #tpu.memory_space<semaphore_mem>>, %arg17: memref<!tpu.dma_semaphore, #tpu.memory_space<semaphore_mem>>, %arg18: memref<!tpu.dma_semaphore, #tpu.memory_space<semaphore_mem>>, %arg19: memref<!tpu.dma_semaphore, #tpu.memory_space<semaphore_mem>>, %arg20: memref<!tpu.dma_semaphore, #tpu.memory_space<semaphore_mem>>, %arg21: memref<!tpu.dma_semaphore, #tpu.memory_space<semaphore_mem>>, %arg22: memref<!tpu.dma_semaphore, #tpu.memory_space<semaphore_mem>>, %arg23: memref<!tpu.dma_semaphore, #tpu.memory_space<semaphore_mem>>, %arg24: memref<!tpu.dma_semaphore, #tpu.memory_space<semaphore_mem>>, %arg25: memref<!tpu.dma_semaphore, #tpu.memory_space<semaphore_mem>>, %arg26: memref<!tpu.dma_semaphore, #tpu.memory_space<semaphore_mem>>, %arg27: memref<!tpu.dma_semaphore, #tpu.memory_space<semaphore_mem>>, %arg28: memref<!tpu.dma_semaphore, #tpu.memory_space<semaphore_mem>>, %arg29: memref<!tpu.dma_semaphore, #tpu.memory_space<semaphore_mem>>) attributes {dimension_semantics = [#tpu.dimension_semantics<core_parallel>, #tpu.dimension_semantics<subcore_parallel>], iteration_bounds = array<i64: 2, 16>, scalar_prefetch = 0 : i64, scratch_operands = 25 : i64, tpu.core_type = #tpu.core_type<sc_vector_subcore>, window_params = [{transform_indices = #map}, {transform_indices = #map1}, {transform_indices = #map2}]} {
    %mul3A = arith.constant 2 : i32
    %mul3A_0 = arith.muli %arg1, %mul3A : i32
    %add3A = arith.addi %mul3A_0, %arg0 : i32
    %mul3A_1 = arith.constant 25600 : i32
    %mul3A_2 = arith.muli %add3A, %mul3A_1 : i32
    %mul3A_3 = arith.constant 128 : i32
    %mul3A_4 = arith.muli %add3A, %mul3A_3 : i32
    "tpu.region"() ({
      %run_scoped3A = tpu.sem_alloc : memref<!tpu.dma_semaphore, #tpu.memory_space<semaphore_mem>>
      %dma_start3A_263 = tpu.memref_slice %arg2[%mul3A_2] : memref<819200xi32, #tpu.memory_space<hbm>> -> memref<25600xi32, #tpu.memory_space<hbm>>
      %dma_start3A_264 = tpu.memref_slice %arg2[%mul3A_2] : memref<819200xi32, #tpu.memory_space<hbm>> -> memref<25600xi32, #tpu.memory_space<hbm>>
      tpu.enqueue_dma source(%dma_start3A_264 : memref<25600xi32, #tpu.memory_space<hbm>>) target(%arg5 : memref<25600xi32, #tpu.memory_space<vmem>>) target_semaphore(%run_scoped3A : memref<!tpu.dma_semaphore, #tpu.memory_space<semaphore_mem>>)
      %dma_wait3A_265 = tpu.memref_slice %arg2[%mul3A_2] : memref<819200xi32, #tpu.memory_space<hbm>> -> memref<25600xi32, #tpu.memory_space<hbm>>
      %dma_wait3A_266 = tpu.memref_slice %arg2[%mul3A_2] : memref<819200xi32, #tpu.memory_space<hbm>> -> memref<25600xi32, #tpu.memory_space<hbm>>
      tpu.wait_dma2 semaphore(%run_scoped3A : memref<!tpu.dma_semaphore, #tpu.memory_space<semaphore_mem>>) src(%dma_wait3A_266 : memref<25600xi32, #tpu.memory_space<hbm>>) dst(%arg5 : memref<25600xi32, #tpu.memory_space<vmem>>)
      tpu.yield
    }) : () -> ()
    %dma_start3A = arith.constant 0 : i32
    %dma_start3A_5 = tpu.memref_slice %arg5[%dma_start3A] : memref<25600xi32, #tpu.memory_space<vmem>> -> memref<200xi32, #tpu.memory_space<vmem>>
    %dma_start3A_6 = arith.constant 0 : i32
    %dma_start3A_7 = arith.constant 0 : i32
    %dma_start3A_8 = tpu.memref_slice %arg3[%dma_start3A_6, %dma_start3A_7] : memref<1000000x64xf32, #tpu.memory_space<hbm>> -> memref<1000000x64xf32, #tpu.memory_space<hbm>>
    tpu.enqueue_indirect_dma source(%dma_start3A_8 : memref<1000000x64xf32, #tpu.memory_space<hbm>>) target(%arg6 : memref<200x64xf32, #tpu.memory_space<vmem>>) offsets(%dma_start3A_5 : memref<200xi32, #tpu.memory_space<vmem>>) semaphore(%arg14 : memref<!tpu.dma_semaphore, #tpu.memory_space<semaphore_mem>>)
    %dma_start3A_9 = arith.constant 200 : i32
    %dma_start3A_10 = tpu.memref_slice %arg5[%dma_start3A_9] : memref<25600xi32, #tpu.memory_space<vmem>> -> memref<200xi32, #tpu.memory_space<vmem>>
    %dma_start3A_11 = arith.constant 0 : i32
    %dma_start3A_12 = arith.constant 0 : i32
    %dma_start3A_13 = tpu.memref_slice %arg3[%dma_start3A_11, %dma_start3A_12] : memref<1000000x64xf32, #tpu.memory_space<hbm>> -> memref<1000000x64xf32, #tpu.memory_space<hbm>>
    tpu.enqueue_indirect_dma source(%dma_start3A_13 : memref<1000000x64xf32, #tpu.memory_space<hbm>>) target(%arg7 : memref<200x64xf32, #tpu.memory_space<vmem>>) offsets(%dma_start3A_10 : memref<200xi32, #tpu.memory_space<vmem>>) semaphore(%arg15 : memref<!tpu.dma_semaphore, #tpu.memory_space<semaphore_mem>>)
    %dma_start3A_14 = arith.constant 400 : i32
    %dma_start3A_15 = tpu.memref_slice %arg5[%dma_start3A_14] : memref<25600xi32, #tpu.memory_space<vmem>> -> memref<200xi32, #tpu.memory_space<vmem>>
    %dma_start3A_16 = arith.constant 0 : i32
    %dma_start3A_17 = arith.constant 0 : i32
    %dma_start3A_18 = tpu.memref_slice %arg3[%dma_start3A_16, %dma_start3A_17] : memref<1000000x64xf32, #tpu.memory_space<hbm>> -> memref<1000000x64xf32, #tpu.memory_space<hbm>>
    tpu.enqueue_indirect_dma source(%dma_start3A_18 : memref<1000000x64xf32, #tpu.memory_space<hbm>>) target(%arg8 : memref<200x64xf32, #tpu.memory_space<vmem>>) offsets(%dma_start3A_15 : memref<200xi32, #tpu.memory_space<vmem>>) semaphore(%arg16 : memref<!tpu.dma_semaphore, #tpu.memory_space<semaphore_mem>>)
    %dma_start3A_19 = arith.constant 600 : i32
    %dma_start3A_20 = tpu.memref_slice %arg5[%dma_start3A_19] : memref<25600xi32, #tpu.memory_space<vmem>> -> memref<200xi32, #tpu.memory_space<vmem>>
    %dma_start3A_21 = arith.constant 0 : i32
    %dma_start3A_22 = arith.constant 0 : i32
    %dma_start3A_23 = tpu.memref_slice %arg3[%dma_start3A_21, %dma_start3A_22] : memref<1000000x64xf32, #tpu.memory_space<hbm>> -> memref<1000000x64xf32, #tpu.memory_space<hbm>>
    tpu.enqueue_indirect_dma source(%dma_start3A_23 : memref<1000000x64xf32, #tpu.memory_space<hbm>>) target(%arg9 : memref<200x64xf32, #tpu.memory_space<vmem>>) offsets(%dma_start3A_20 : memref<200xi32, #tpu.memory_space<vmem>>) semaphore(%arg17 : memref<!tpu.dma_semaphore, #tpu.memory_space<semaphore_mem>>)
    %scan3A = arith.constant 0 : i32
    %scan3A_24 = arith.constant 15 : i32
    %scan3A_25 = arith.addi %scan3A, %scan3A_24 : i32
    %scan3A_26 = arith.constant 1 : i32
    scf.for %scan3A_263 = %scan3A to %scan3A_25 step %scan3A_26  : i32 {
      %mul3A_264 = arith.constant 8 : i32
      %mul3A_265 = arith.muli %scan3A_263, %mul3A_264 : i32
      %add3A_266 = arith.constant 0 : i32
      %add3A_267 = arith.addi %add3A_266, %mul3A_265 : i32
      %ne3A = arith.constant 0 : i32
      %ne3A_268 = arith.cmpi ne, %add3A_267, %ne3A : i32
      %add3A_269 = arith.constant 0 : i32
      %add3A_270 = arith.addi %add3A_267, %add3A_269 : i32
      %convert_element_type3A = arith.extui %ne3A_268 : i1 to i32
      %cond3A = arith.constant 0 : i32
      %cond3A_271 = arith.cmpi ne, %convert_element_type3A, %cond3A : i32
      scf.if %cond3A_271 {
        %dma_wait3A_505 = arith.constant 0 : i32
        %dma_wait3A_506 = arith.constant 0 : i32
        %dma_wait3A_507 = tpu.memref_slice %arg4[%mul3A_4, %dma_wait3A_505, %dma_wait3A_506] : memref<4096x200x64xf32, #tpu.memory_space<hbm>> -> memref<1x200x64xf32, #tpu.memory_space<hbm>>
        %dma_wait3A_508 = tpu.memref_squeeze %dma_wait3A_507 : memref<1x200x64xf32, #tpu.memory_space<hbm>> -> memref<200x64xf32, #tpu.memory_space<hbm>>
        %dma_wait3A_509 = arith.constant 0 : i32
        %dma_wait3A_510 = arith.constant 0 : i32
        %dma_wait3A_511 = tpu.memref_slice %arg4[%mul3A_4, %dma_wait3A_509, %dma_wait3A_510] : memref<4096x200x64xf32, #tpu.memory_space<hbm>> -> memref<1x200x64xf32, #tpu.memory_space<hbm>>
        %dma_wait3A_512 = tpu.memref_squeeze %dma_wait3A_511 : memref<1x200x64xf32, #tpu.memory_space<hbm>> -> memref<200x64xf32, #tpu.memory_space<hbm>>
        tpu.wait_dma2 semaphore(%arg26 : memref<!tpu.dma_semaphore, #tpu.memory_space<semaphore_mem>>) src(%arg10 : memref<200x64xf32, #tpu.memory_space<vmem>>) dst(%dma_wait3A_512 : memref<200x64xf32, #tpu.memory_space<hbm>>)
      } else {
      }
      %add3A_272 = arith.constant 4 : i32
      %add3A_273 = arith.addi %add3A_270, %add3A_272 : i32
      %mul3A_274 = arith.constant 200 : i32
      %mul3A_275 = arith.muli %add3A_273, %mul3A_274 : i32
      %dma_start3A_276 = tpu.memref_slice %arg5[%mul3A_275] : memref<25600xi32, #tpu.memory_space<vmem>> -> memref<200xi32, #tpu.memory_space<vmem>>
      %dma_start3A_277 = arith.constant 0 : i32
      %dma_start3A_278 = arith.constant 0 : i32
      %dma_start3A_279 = tpu.memref_slice %arg3[%dma_start3A_277, %dma_start3A_278] : memref<1000000x64xf32, #tpu.memory_space<hbm>> -> memref<1000000x64xf32, #tpu.memory_space<hbm>>
      tpu.enqueue_indirect_dma source(%dma_start3A_279 : memref<1000000x64xf32, #tpu.memory_space<hbm>>) target(%arg10 : memref<200x64xf32, #tpu.memory_space<vmem>>) offsets(%dma_start3A_276 : memref<200xi32, #tpu.memory_space<vmem>>) semaphore(%arg18 : memref<!tpu.dma_semaphore, #tpu.memory_space<semaphore_mem>>)
      %dma_wait3A_280 = arith.constant 0 : i32
      %dma_wait3A_281 = tpu.memref_slice %arg5[%dma_wait3A_280] : memref<25600xi32, #tpu.memory_space<vmem>> -> memref<200xi32, #tpu.memory_space<vmem>>
      %dma_wait3A_282 = arith.constant 0 : i32
      %dma_wait3A_283 = arith.constant 0 : i32
      %dma_wait3A_284 = tpu.memref_slice %arg3[%dma_wait3A_282, %dma_wait3A_283] : memref<1000000x64xf32, #tpu.memory_space<hbm>> -> memref<1000000x64xf32, #tpu.memory_space<hbm>>
      tpu.wait_indirect_dma semaphore(%arg14 : memref<!tpu.dma_semaphore, #tpu.memory_space<semaphore_mem>>) src(%dma_wait3A_284 : memref<1000000x64xf32, #tpu.memory_space<hbm>>) dst(%arg6 : memref<200x64xf32, #tpu.memory_space<vmem>>)
      %add3A_285 = arith.addi %mul3A_4, %add3A_270 : i32
      %dma_start3A_286 = arith.constant 0 : i32
      %dma_start3A_287 = arith.constant 0 : i32
      %dma_start3A_288 = tpu.memref_slice %arg4[%add3A_285, %dma_start3A_286, %dma_start3A_287] : memref<4096x200x64xf32, #tpu.memory_space<hbm>> -> memref<1x200x64xf32, #tpu.memory_space<hbm>>
      %dma_start3A_289 = tpu.memref_squeeze %dma_start3A_288 : memref<1x200x64xf32, #tpu.memory_space<hbm>> -> memref<200x64xf32, #tpu.memory_space<hbm>>
      %dma_start3A_290 = arith.constant 0 : i32
      %dma_start3A_291 = arith.constant 0 : i32
      %dma_start3A_292 = tpu.memref_slice %arg4[%add3A_285, %dma_start3A_290, %dma_start3A_291] : memref<4096x200x64xf32, #tpu.memory_space<hbm>> -> memref<1x200x64xf32, #tpu.memory_space<hbm>>
      %dma_start3A_293 = tpu.memref_squeeze %dma_start3A_292 : memref<1x200x64xf32, #tpu.memory_space<hbm>> -> memref<200x64xf32, #tpu.memory_space<hbm>>
      tpu.enqueue_dma source(%arg6 : memref<200x64xf32, #tpu.memory_space<vmem>>) target(%dma_start3A_293 : memref<200x64xf32, #tpu.memory_space<hbm>>) target_semaphore(%arg22 : memref<!tpu.dma_semaphore, #tpu.memory_space<semaphore_mem>>)
      %add3A_294 = arith.constant 1 : i32
      %add3A_295 = arith.addi %add3A_267, %add3A_294 : i32
      %convert_element_type3A_296 = arith.extui %ne3A_268 : i1 to i32
      %cond3A_297 = arith.constant 0 : i32
      %cond3A_298 = arith.cmpi ne, %convert_element_type3A_296, %cond3A_297 : i32
      scf.if %cond3A_298 {
        %dma_wait3A_505 = arith.constant 0 : i32
        %dma_wait3A_506 = arith.constant 0 : i32
        %dma_wait3A_507 = tpu.memref_slice %arg4[%mul3A_4, %dma_wait3A_505, %dma_wait3A_506] : memref<4096x200x64xf32, #tpu.memory_space<hbm>> -> memref<1x200x64xf32, #tpu.memory_space<hbm>>
        %dma_wait3A_508 = tpu.memref_squeeze %dma_wait3A_507 : memref<1x200x64xf32, #tpu.memory_space<hbm>> -> memref<200x64xf32, #tpu.memory_space<hbm>>
        %dma_wait3A_509 = arith.constant 0 : i32
        %dma_wait3A_510 = arith.constant 0 : i32
        %dma_wait3A_511 = tpu.memref_slice %arg4[%mul3A_4, %dma_wait3A_509, %dma_wait3A_510] : memref<4096x200x64xf32, #tpu.memory_space<hbm>> -> memref<1x200x64xf32, #tpu.memory_space<hbm>>
        %dma_wait3A_512 = tpu.memref_squeeze %dma_wait3A_511 : memref<1x200x64xf32, #tpu.memory_space<hbm>> -> memref<200x64xf32, #tpu.memory_space<hbm>>
        tpu.wait_dma2 semaphore(%arg27 : memref<!tpu.dma_semaphore, #tpu.memory_space<semaphore_mem>>) src(%arg11 : memref<200x64xf32, #tpu.memory_space<vmem>>) dst(%dma_wait3A_512 : memref<200x64xf32, #tpu.memory_space<hbm>>)
      } else {
      }
      %add3A_299 = arith.constant 4 : i32
      %add3A_300 = arith.addi %add3A_295, %add3A_299 : i32
      %mul3A_301 = arith.constant 200 : i32
      %mul3A_302 = arith.muli %add3A_300, %mul3A_301 : i32
      %dma_start3A_303 = tpu.memref_slice %arg5[%mul3A_302] : memref<25600xi32, #tpu.memory_space<vmem>> -> memref<200xi32, #tpu.memory_space<vmem>>
      %dma_start3A_304 = arith.constant 0 : i32
      %dma_start3A_305 = arith.constant 0 : i32
      %dma_start3A_306 = tpu.memref_slice %arg3[%dma_start3A_304, %dma_start3A_305] : memref<1000000x64xf32, #tpu.memory_space<hbm>> -> memref<1000000x64xf32, #tpu.memory_space<hbm>>
      tpu.enqueue_indirect_dma source(%dma_start3A_306 : memref<1000000x64xf32, #tpu.memory_space<hbm>>) target(%arg11 : memref<200x64xf32, #tpu.memory_space<vmem>>) offsets(%dma_start3A_303 : memref<200xi32, #tpu.memory_space<vmem>>) semaphore(%arg19 : memref<!tpu.dma_semaphore, #tpu.memory_space<semaphore_mem>>)
      %dma_wait3A_307 = arith.constant 0 : i32
      %dma_wait3A_308 = tpu.memref_slice %arg5[%dma_wait3A_307] : memref<25600xi32, #tpu.memory_space<vmem>> -> memref<200xi32, #tpu.memory_space<vmem>>
      %dma_wait3A_309 = arith.constant 0 : i32
      %dma_wait3A_310 = arith.constant 0 : i32
      %dma_wait3A_311 = tpu.memref_slice %arg3[%dma_wait3A_309, %dma_wait3A_310] : memref<1000000x64xf32, #tpu.memory_space<hbm>> -> memref<1000000x64xf32, #tpu.memory_space<hbm>>
      tpu.wait_indirect_dma semaphore(%arg15 : memref<!tpu.dma_semaphore, #tpu.memory_space<semaphore_mem>>) src(%dma_wait3A_311 : memref<1000000x64xf32, #tpu.memory_space<hbm>>) dst(%arg7 : memref<200x64xf32, #tpu.memory_space<vmem>>)
      %add3A_312 = arith.addi %mul3A_4, %add3A_295 : i32
      %dma_start3A_313 = arith.constant 0 : i32
      %dma_start3A_314 = arith.constant 0 : i32
      %dma_start3A_315 = tpu.memref_slice %arg4[%add3A_312, %dma_start3A_313, %dma_start3A_314] : memref<4096x200x64xf32, #tpu.memory_space<hbm>> -> memref<1x200x64xf32, #tpu.memory_space<hbm>>
      %dma_start3A_316 = tpu.memref_squeeze %dma_start3A_315 : memref<1x200x64xf32, #tpu.memory_space<hbm>> -> memref<200x64xf32, #tpu.memory_space<hbm>>
      %dma_start3A_317 = arith.constant 0 : i32
      %dma_start3A_318 = arith.constant 0 : i32
      %dma_start3A_319 = tpu.memref_slice %arg4[%add3A_312, %dma_start3A_317, %dma_start3A_318] : memref<4096x200x64xf32, #tpu.memory_space<hbm>> -> memref<1x200x64xf32, #tpu.memory_space<hbm>>
      %dma_start3A_320 = tpu.memref_squeeze %dma_start3A_319 : memref<1x200x64xf32, #tpu.memory_space<hbm>> -> memref<200x64xf32, #tpu.memory_space<hbm>>
      tpu.enqueue_dma source(%arg7 : memref<200x64xf32, #tpu.memory_space<vmem>>) target(%dma_start3A_320 : memref<200x64xf32, #tpu.memory_space<hbm>>) target_semaphore(%arg23 : memref<!tpu.dma_semaphore, #tpu.memory_space<semaphore_mem>>)
      %add3A_321 = arith.constant 2 : i32
      %add3A_322 = arith.addi %add3A_267, %add3A_321 : i32
      %convert_element_type3A_323 = arith.extui %ne3A_268 : i1 to i32
      %cond3A_324 = arith.constant 0 : i32
      %cond3A_325 = arith.cmpi ne, %convert_element_type3A_323, %cond3A_324 : i32
      scf.if %cond3A_325 {
        %dma_wait3A_505 = arith.constant 0 : i32
        %dma_wait3A_506 = arith.constant 0 : i32
        %dma_wait3A_507 = tpu.memref_slice %arg4[%mul3A_4, %dma_wait3A_505, %dma_wait3A_506] : memref<4096x200x64xf32, #tpu.memory_space<hbm>> -> memref<1x200x64xf32, #tpu.memory_space<hbm>>
        %dma_wait3A_508 = tpu.memref_squeeze %dma_wait3A_507 : memref<1x200x64xf32, #tpu.memory_space<hbm>> -> memref<200x64xf32, #tpu.memory_space<hbm>>
        %dma_wait3A_509 = arith.constant 0 : i32
        %dma_wait3A_510 = arith.constant 0 : i32
        %dma_wait3A_511 = tpu.memref_slice %arg4[%mul3A_4, %dma_wait3A_509, %dma_wait3A_510] : memref<4096x200x64xf32, #tpu.memory_space<hbm>> -> memref<1x200x64xf32, #tpu.memory_space<hbm>>
        %dma_wait3A_512 = tpu.memref_squeeze %dma_wait3A_511 : memref<1x200x64xf32, #tpu.memory_space<hbm>> -> memref<200x64xf32, #tpu.memory_space<hbm>>
        tpu.wait_dma2 semaphore(%arg28 : memref<!tpu.dma_semaphore, #tpu.memory_space<semaphore_mem>>) src(%arg12 : memref<200x64xf32, #tpu.memory_space<vmem>>) dst(%dma_wait3A_512 : memref<200x64xf32, #tpu.memory_space<hbm>>)
      } else {
      }
      %add3A_326 = arith.constant 4 : i32
      %add3A_327 = arith.addi %add3A_322, %add3A_326 : i32
      %mul3A_328 = arith.constant 200 : i32
      %mul3A_329 = arith.muli %add3A_327, %mul3A_328 : i32
      %dma_start3A_330 = tpu.memref_slice %arg5[%mul3A_329] : memref<25600xi32, #tpu.memory_space<vmem>> -> memref<200xi32, #tpu.memory_space<vmem>>
      %dma_start3A_331 = arith.constant 0 : i32
      %dma_start3A_332 = arith.constant 0 : i32
      %dma_start3A_333 = tpu.memref_slice %arg3[%dma_start3A_331, %dma_start3A_332] : memref<1000000x64xf32, #tpu.memory_space<hbm>> -> memref<1000000x64xf32, #tpu.memory_space<hbm>>
      tpu.enqueue_indirect_dma source(%dma_start3A_333 : memref<1000000x64xf32, #tpu.memory_space<hbm>>) target(%arg12 : memref<200x64xf32, #tpu.memory_space<vmem>>) offsets(%dma_start3A_330 : memref<200xi32, #tpu.memory_space<vmem>>) semaphore(%arg20 : memref<!tpu.dma_semaphore, #tpu.memory_space<semaphore_mem>>)
      %dma_wait3A_334 = arith.constant 0 : i32
      %dma_wait3A_335 = tpu.memref_slice %arg5[%dma_wait3A_334] : memref<25600xi32, #tpu.memory_space<vmem>> -> memref<200xi32, #tpu.memory_space<vmem>>
      %dma_wait3A_336 = arith.constant 0 : i32
      %dma_wait3A_337 = arith.constant 0 : i32
      %dma_wait3A_338 = tpu.memref_slice %arg3[%dma_wait3A_336, %dma_wait3A_337] : memref<1000000x64xf32, #tpu.memory_space<hbm>> -> memref<1000000x64xf32, #tpu.memory_space<hbm>>
      tpu.wait_indirect_dma semaphore(%arg16 : memref<!tpu.dma_semaphore, #tpu.memory_space<semaphore_mem>>) src(%dma_wait3A_338 : memref<1000000x64xf32, #tpu.memory_space<hbm>>) dst(%arg8 : memref<200x64xf32, #tpu.memory_space<vmem>>)
      %add3A_339 = arith.addi %mul3A_4, %add3A_322 : i32
      %dma_start3A_340 = arith.constant 0 : i32
      %dma_start3A_341 = arith.constant 0 : i32
      %dma_start3A_342 = tpu.memref_slice %arg4[%add3A_339, %dma_start3A_340, %dma_start3A_341] : memref<4096x200x64xf32, #tpu.memory_space<hbm>> -> memref<1x200x64xf32, #tpu.memory_space<hbm>>
      %dma_start3A_343 = tpu.memref_squeeze %dma_start3A_342 : memref<1x200x64xf32, #tpu.memory_space<hbm>> -> memref<200x64xf32, #tpu.memory_space<hbm>>
      %dma_start3A_344 = arith.constant 0 : i32
      %dma_start3A_345 = arith.constant 0 : i32
      %dma_start3A_346 = tpu.memref_slice %arg4[%add3A_339, %dma_start3A_344, %dma_start3A_345] : memref<4096x200x64xf32, #tpu.memory_space<hbm>> -> memref<1x200x64xf32, #tpu.memory_space<hbm>>
      %dma_start3A_347 = tpu.memref_squeeze %dma_start3A_346 : memref<1x200x64xf32, #tpu.memory_space<hbm>> -> memref<200x64xf32, #tpu.memory_space<hbm>>
      tpu.enqueue_dma source(%arg8 : memref<200x64xf32, #tpu.memory_space<vmem>>) target(%dma_start3A_347 : memref<200x64xf32, #tpu.memory_space<hbm>>) target_semaphore(%arg24 : memref<!tpu.dma_semaphore, #tpu.memory_space<semaphore_mem>>)
      %add3A_348 = arith.constant 3 : i32
      %add3A_349 = arith.addi %add3A_267, %add3A_348 : i32
      %convert_element_type3A_350 = arith.extui %ne3A_268 : i1 to i32
      %cond3A_351 = arith.constant 0 : i32
      %cond3A_352 = arith.cmpi ne, %convert_element_type3A_350, %cond3A_351 : i32
      scf.if %cond3A_352 {
        %dma_wait3A_505 = arith.constant 0 : i32
        %dma_wait3A_506 = arith.constant 0 : i32
        %dma_wait3A_507 = tpu.memref_slice %arg4[%mul3A_4, %dma_wait3A_505, %dma_wait3A_506] : memref<4096x200x64xf32, #tpu.memory_space<hbm>> -> memref<1x200x64xf32, #tpu.memory_space<hbm>>
        %dma_wait3A_508 = tpu.memref_squeeze %dma_wait3A_507 : memref<1x200x64xf32, #tpu.memory_space<hbm>> -> memref<200x64xf32, #tpu.memory_space<hbm>>
        %dma_wait3A_509 = arith.constant 0 : i32
        %dma_wait3A_510 = arith.constant 0 : i32
        %dma_wait3A_511 = tpu.memref_slice %arg4[%mul3A_4, %dma_wait3A_509, %dma_wait3A_510] : memref<4096x200x64xf32, #tpu.memory_space<hbm>> -> memref<1x200x64xf32, #tpu.memory_space<hbm>>
        %dma_wait3A_512 = tpu.memref_squeeze %dma_wait3A_511 : memref<1x200x64xf32, #tpu.memory_space<hbm>> -> memref<200x64xf32, #tpu.memory_space<hbm>>
        tpu.wait_dma2 semaphore(%arg29 : memref<!tpu.dma_semaphore, #tpu.memory_space<semaphore_mem>>) src(%arg13 : memref<200x64xf32, #tpu.memory_space<vmem>>) dst(%dma_wait3A_512 : memref<200x64xf32, #tpu.memory_space<hbm>>)
      } else {
      }
      %add3A_353 = arith.constant 4 : i32
      %add3A_354 = arith.addi %add3A_349, %add3A_353 : i32
      %mul3A_355 = arith.constant 200 : i32
      %mul3A_356 = arith.muli %add3A_354, %mul3A_355 : i32
      %dma_start3A_357 = tpu.memref_slice %arg5[%mul3A_356] : memref<25600xi32, #tpu.memory_space<vmem>> -> memref<200xi32, #tpu.memory_space<vmem>>
      %dma_start3A_358 = arith.constant 0 : i32
      %dma_start3A_359 = arith.constant 0 : i32
      %dma_start3A_360 = tpu.memref_slice %arg3[%dma_start3A_358, %dma_start3A_359] : memref<1000000x64xf32, #tpu.memory_space<hbm>> -> memref<1000000x64xf32, #tpu.memory_space<hbm>>
      tpu.enqueue_indirect_dma source(%dma_start3A_360 : memref<1000000x64xf32, #tpu.memory_space<hbm>>) target(%arg13 : memref<200x64xf32, #tpu.memory_space<vmem>>) offsets(%dma_start3A_357 : memref<200xi32, #tpu.memory_space<vmem>>) semaphore(%arg21 : memref<!tpu.dma_semaphore, #tpu.memory_space<semaphore_mem>>)
      %dma_wait3A_361 = arith.constant 0 : i32
      %dma_wait3A_362 = tpu.memref_slice %arg5[%dma_wait3A_361] : memref<25600xi32, #tpu.memory_space<vmem>> -> memref<200xi32, #tpu.memory_space<vmem>>
      %dma_wait3A_363 = arith.constant 0 : i32
      %dma_wait3A_364 = arith.constant 0 : i32
      %dma_wait3A_365 = tpu.memref_slice %arg3[%dma_wait3A_363, %dma_wait3A_364] : memref<1000000x64xf32, #tpu.memory_space<hbm>> -> memref<1000000x64xf32, #tpu.memory_space<hbm>>
      tpu.wait_indirect_dma semaphore(%arg17 : memref<!tpu.dma_semaphore, #tpu.memory_space<semaphore_mem>>) src(%dma_wait3A_365 : memref<1000000x64xf32, #tpu.memory_space<hbm>>) dst(%arg9 : memref<200x64xf32, #tpu.memory_space<vmem>>)
      %add3A_366 = arith.addi %mul3A_4, %add3A_349 : i32
      %dma_start3A_367 = arith.constant 0 : i32
      %dma_start3A_368 = arith.constant 0 : i32
      %dma_start3A_369 = tpu.memref_slice %arg4[%add3A_366, %dma_start3A_367, %dma_start3A_368] : memref<4096x200x64xf32, #tpu.memory_space<hbm>> -> memref<1x200x64xf32, #tpu.memory_space<hbm>>
      %dma_start3A_370 = tpu.memref_squeeze %dma_start3A_369 : memref<1x200x64xf32, #tpu.memory_space<hbm>> -> memref<200x64xf32, #tpu.memory_space<hbm>>
      %dma_start3A_371 = arith.constant 0 : i32
      %dma_start3A_372 = arith.constant 0 : i32
      %dma_start3A_373 = tpu.memref_slice %arg4[%add3A_366, %dma_start3A_371, %dma_start3A_372] : memref<4096x200x64xf32, #tpu.memory_space<hbm>> -> memref<1x200x64xf32, #tpu.memory_space<hbm>>
      %dma_start3A_374 = tpu.memref_squeeze %dma_start3A_373 : memref<1x200x64xf32, #tpu.memory_space<hbm>> -> memref<200x64xf32, #tpu.memory_space<hbm>>
      tpu.enqueue_dma source(%arg9 : memref<200x64xf32, #tpu.memory_space<vmem>>) target(%dma_start3A_374 : memref<200x64xf32, #tpu.memory_space<hbm>>) target_semaphore(%arg25 : memref<!tpu.dma_semaphore, #tpu.memory_space<semaphore_mem>>)
      %add3A_375 = arith.constant 4 : i32
      %add3A_376 = arith.addi %add3A_267, %add3A_375 : i32
      %add3A_377 = arith.constant 0 : i32
      %add3A_378 = arith.addi %add3A_376, %add3A_377 : i32
      %dma_wait3A_379 = arith.constant 0 : i32
      %dma_wait3A_380 = arith.constant 0 : i32
      %dma_wait3A_381 = tpu.memref_slice %arg4[%mul3A_4, %dma_wait3A_379, %dma_wait3A_380] : memref<4096x200x64xf32, #tpu.memory_space<hbm>> -> memref<1x200x64xf32, #tpu.memory_space<hbm>>
      %dma_wait3A_382 = tpu.memref_squeeze %dma_wait3A_381 : memref<1x200x64xf32, #tpu.memory_space<hbm>> -> memref<200x64xf32, #tpu.memory_space<hbm>>
      %dma_wait3A_383 = arith.constant 0 : i32
      %dma_wait3A_384 = arith.constant 0 : i32
      %dma_wait3A_385 = tpu.memref_slice %arg4[%mul3A_4, %dma_wait3A_383, %dma_wait3A_384] : memref<4096x200x64xf32, #tpu.memory_space<hbm>> -> memref<1x200x64xf32, #tpu.memory_space<hbm>>
      %dma_wait3A_386 = tpu.memref_squeeze %dma_wait3A_385 : memref<1x200x64xf32, #tpu.memory_space<hbm>> -> memref<200x64xf32, #tpu.memory_space<hbm>>
      tpu.wait_dma2 semaphore(%arg22 : memref<!tpu.dma_semaphore, #tpu.memory_space<semaphore_mem>>) src(%arg6 : memref<200x64xf32, #tpu.memory_space<vmem>>) dst(%dma_wait3A_386 : memref<200x64xf32, #tpu.memory_space<hbm>>)
      %add3A_387 = arith.constant 4 : i32
      %add3A_388 = arith.addi %add3A_378, %add3A_387 : i32
      %mul3A_389 = arith.constant 200 : i32
      %mul3A_390 = arith.muli %add3A_388, %mul3A_389 : i32
      %dma_start3A_391 = tpu.memref_slice %arg5[%mul3A_390] : memref<25600xi32, #tpu.memory_space<vmem>> -> memref<200xi32, #tpu.memory_space<vmem>>
      %dma_start3A_392 = arith.constant 0 : i32
      %dma_start3A_393 = arith.constant 0 : i32
      %dma_start3A_394 = tpu.memref_slice %arg3[%dma_start3A_392, %dma_start3A_393] : memref<1000000x64xf32, #tpu.memory_space<hbm>> -> memref<1000000x64xf32, #tpu.memory_space<hbm>>
      tpu.enqueue_indirect_dma source(%dma_start3A_394 : memref<1000000x64xf32, #tpu.memory_space<hbm>>) target(%arg6 : memref<200x64xf32, #tpu.memory_space<vmem>>) offsets(%dma_start3A_391 : memref<200xi32, #tpu.memory_space<vmem>>) semaphore(%arg14 : memref<!tpu.dma_semaphore, #tpu.memory_space<semaphore_mem>>)
      %dma_wait3A_395 = arith.constant 0 : i32
      %dma_wait3A_396 = tpu.memref_slice %arg5[%dma_wait3A_395] : memref<25600xi32, #tpu.memory_space<vmem>> -> memref<200xi32, #tpu.memory_space<vmem>>
      %dma_wait3A_397 = arith.constant 0 : i32
      %dma_wait3A_398 = arith.constant 0 : i32
      %dma_wait3A_399 = tpu.memref_slice %arg3[%dma_wait3A_397, %dma_wait3A_398] : memref<1000000x64xf32, #tpu.memory_space<hbm>> -> memref<1000000x64xf32, #tpu.memory_space<hbm>>
      tpu.wait_indirect_dma semaphore(%arg18 : memref<!tpu.dma_semaphore, #tpu.memory_space<semaphore_mem>>) src(%dma_wait3A_399 : memref<1000000x64xf32, #tpu.memory_space<hbm>>) dst(%arg10 : memref<200x64xf32, #tpu.memory_space<vmem>>)
      %add3A_400 = arith.addi %mul3A_4, %add3A_378 : i32
      %dma_start3A_401 = arith.constant 0 : i32
      %dma_start3A_402 = arith.constant 0 : i32
      %dma_start3A_403 = tpu.memref_slice %arg4[%add3A_400, %dma_start3A_401, %dma_start3A_402] : memref<4096x200x64xf32, #tpu.memory_space<hbm>> -> memref<1x200x64xf32, #tpu.memory_space<hbm>>
      %dma_start3A_404 = tpu.memref_squeeze %dma_start3A_403 : memref<1x200x64xf32, #tpu.memory_space<hbm>> -> memref<200x64xf32, #tpu.memory_space<hbm>>
      %dma_start3A_405 = arith.constant 0 : i32
      %dma_start3A_406 = arith.constant 0 : i32
      %dma_start3A_407 = tpu.memref_slice %arg4[%add3A_400, %dma_start3A_405, %dma_start3A_406] : memref<4096x200x64xf32, #tpu.memory_space<hbm>> -> memref<1x200x64xf32, #tpu.memory_space<hbm>>
      %dma_start3A_408 = tpu.memref_squeeze %dma_start3A_407 : memref<1x200x64xf32, #tpu.memory_space<hbm>> -> memref<200x64xf32, #tpu.memory_space<hbm>>
      tpu.enqueue_dma source(%arg10 : memref<200x64xf32, #tpu.memory_space<vmem>>) target(%dma_start3A_408 : memref<200x64xf32, #tpu.memory_space<hbm>>) target_semaphore(%arg26 : memref<!tpu.dma_semaphore, #tpu.memory_space<semaphore_mem>>)
      %add3A_409 = arith.constant 1 : i32
      %add3A_410 = arith.addi %add3A_376, %add3A_409 : i32
      %dma_wait3A_411 = arith.constant 0 : i32
      %dma_wait3A_412 = arith.constant 0 : i32
      %dma_wait3A_413 = tpu.memref_slice %arg4[%mul3A_4, %dma_wait3A_411, %dma_wait3A_412] : memref<4096x200x64xf32, #tpu.memory_space<hbm>> -> memref<1x200x64xf32, #tpu.memory_space<hbm>>
      %dma_wait3A_414 = tpu.memref_squeeze %dma_wait3A_413 : memref<1x200x64xf32, #tpu.memory_space<hbm>> -> memref<200x64xf32, #tpu.memory_space<hbm>>
      %dma_wait3A_415 = arith.constant 0 : i32
      %dma_wait3A_416 = arith.constant 0 : i32
      %dma_wait3A_417 = tpu.memref_slice %arg4[%mul3A_4, %dma_wait3A_415, %dma_wait3A_416] : memref<4096x200x64xf32, #tpu.memory_space<hbm>> -> memref<1x200x64xf32, #tpu.memory_space<hbm>>
      %dma_wait3A_418 = tpu.memref_squeeze %dma_wait3A_417 : memref<1x200x64xf32, #tpu.memory_space<hbm>> -> memref<200x64xf32, #tpu.memory_space<hbm>>
      tpu.wait_dma2 semaphore(%arg23 : memref<!tpu.dma_semaphore, #tpu.memory_space<semaphore_mem>>) src(%arg7 : memref<200x64xf32, #tpu.memory_space<vmem>>) dst(%dma_wait3A_418 : memref<200x64xf32, #tpu.memory_space<hbm>>)
      %add3A_419 = arith.constant 4 : i32
      %add3A_420 = arith.addi %add3A_410, %add3A_419 : i32
      %mul3A_421 = arith.constant 200 : i32
      %mul3A_422 = arith.muli %add3A_420, %mul3A_421 : i32
      %dma_start3A_423 = tpu.memref_slice %arg5[%mul3A_422] : memref<25600xi32, #tpu.memory_space<vmem>> -> memref<200xi32, #tpu.memory_space<vmem>>
      %dma_start3A_424 = arith.constant 0 : i32
      %dma_start3A_425 = arith.constant 0 : i32
      %dma_start3A_426 = tpu.memref_slice %arg3[%dma_start3A_424, %dma_start3A_425] : memref<1000000x64xf32, #tpu.memory_space<hbm>> -> memref<1000000x64xf32, #tpu.memory_space<hbm>>
      tpu.enqueue_indirect_dma source(%dma_start3A_426 : memref<1000000x64xf32, #tpu.memory_space<hbm>>) target(%arg7 : memref<200x64xf32, #tpu.memory_space<vmem>>) offsets(%dma_start3A_423 : memref<200xi32, #tpu.memory_space<vmem>>) semaphore(%arg15 : memref<!tpu.dma_semaphore, #tpu.memory_space<semaphore_mem>>)
      %dma_wait3A_427 = arith.constant 0 : i32
      %dma_wait3A_428 = tpu.memref_slice %arg5[%dma_wait3A_427] : memref<25600xi32, #tpu.memory_space<vmem>> -> memref<200xi32, #tpu.memory_space<vmem>>
      %dma_wait3A_429 = arith.constant 0 : i32
      %dma_wait3A_430 = arith.constant 0 : i32
      %dma_wait3A_431 = tpu.memref_slice %arg3[%dma_wait3A_429, %dma_wait3A_430] : memref<1000000x64xf32, #tpu.memory_space<hbm>> -> memref<1000000x64xf32, #tpu.memory_space<hbm>>
      tpu.wait_indirect_dma semaphore(%arg19 : memref<!tpu.dma_semaphore, #tpu.memory_space<semaphore_mem>>) src(%dma_wait3A_431 : memref<1000000x64xf32, #tpu.memory_space<hbm>>) dst(%arg11 : memref<200x64xf32, #tpu.memory_space<vmem>>)
      %add3A_432 = arith.addi %mul3A_4, %add3A_410 : i32
      %dma_start3A_433 = arith.constant 0 : i32
      %dma_start3A_434 = arith.constant 0 : i32
      %dma_start3A_435 = tpu.memref_slice %arg4[%add3A_432, %dma_start3A_433, %dma_start3A_434] : memref<4096x200x64xf32, #tpu.memory_space<hbm>> -> memref<1x200x64xf32, #tpu.memory_space<hbm>>
      %dma_start3A_436 = tpu.memref_squeeze %dma_start3A_435 : memref<1x200x64xf32, #tpu.memory_space<hbm>> -> memref<200x64xf32, #tpu.memory_space<hbm>>
      %dma_start3A_437 = arith.constant 0 : i32
      %dma_start3A_438 = arith.constant 0 : i32
      %dma_start3A_439 = tpu.memref_slice %arg4[%add3A_432, %dma_start3A_437, %dma_start3A_438] : memref<4096x200x64xf32, #tpu.memory_space<hbm>> -> memref<1x200x64xf32, #tpu.memory_space<hbm>>
      %dma_start3A_440 = tpu.memref_squeeze %dma_start3A_439 : memref<1x200x64xf32, #tpu.memory_space<hbm>> -> memref<200x64xf32, #tpu.memory_space<hbm>>
      tpu.enqueue_dma source(%arg11 : memref<200x64xf32, #tpu.memory_space<vmem>>) target(%dma_start3A_440 : memref<200x64xf32, #tpu.memory_space<hbm>>) target_semaphore(%arg27 : memref<!tpu.dma_semaphore, #tpu.memory_space<semaphore_mem>>)
      %add3A_441 = arith.constant 2 : i32
      %add3A_442 = arith.addi %add3A_376, %add3A_441 : i32
      %dma_wait3A_443 = arith.constant 0 : i32
      %dma_wait3A_444 = arith.constant 0 : i32
      %dma_wait3A_445 = tpu.memref_slice %arg4[%mul3A_4, %dma_wait3A_443, %dma_wait3A_444] : memref<4096x200x64xf32, #tpu.memory_space<hbm>> -> memref<1x200x64xf32, #tpu.memory_space<hbm>>
      %dma_wait3A_446 = tpu.memref_squeeze %dma_wait3A_445 : memref<1x200x64xf32, #tpu.memory_space<hbm>> -> memref<200x64xf32, #tpu.memory_space<hbm>>
      %dma_wait3A_447 = arith.constant 0 : i32
      %dma_wait3A_448 = arith.constant 0 : i32
      %dma_wait3A_449 = tpu.memref_slice %arg4[%mul3A_4, %dma_wait3A_447, %dma_wait3A_448] : memref<4096x200x64xf32, #tpu.memory_space<hbm>> -> memref<1x200x64xf32, #tpu.memory_space<hbm>>
      %dma_wait3A_450 = tpu.memref_squeeze %dma_wait3A_449 : memref<1x200x64xf32, #tpu.memory_space<hbm>> -> memref<200x64xf32, #tpu.memory_space<hbm>>
      tpu.wait_dma2 semaphore(%arg24 : memref<!tpu.dma_semaphore, #tpu.memory_space<semaphore_mem>>) src(%arg8 : memref<200x64xf32, #tpu.memory_space<vmem>>) dst(%dma_wait3A_450 : memref<200x64xf32, #tpu.memory_space<hbm>>)
      %add3A_451 = arith.constant 4 : i32
      %add3A_452 = arith.addi %add3A_442, %add3A_451 : i32
      %mul3A_453 = arith.constant 200 : i32
      %mul3A_454 = arith.muli %add3A_452, %mul3A_453 : i32
      %dma_start3A_455 = tpu.memref_slice %arg5[%mul3A_454] : memref<25600xi32, #tpu.memory_space<vmem>> -> memref<200xi32, #tpu.memory_space<vmem>>
      %dma_start3A_456 = arith.constant 0 : i32
      %dma_start3A_457 = arith.constant 0 : i32
      %dma_start3A_458 = tpu.memref_slice %arg3[%dma_start3A_456, %dma_start3A_457] : memref<1000000x64xf32, #tpu.memory_space<hbm>> -> memref<1000000x64xf32, #tpu.memory_space<hbm>>
      tpu.enqueue_indirect_dma source(%dma_start3A_458 : memref<1000000x64xf32, #tpu.memory_space<hbm>>) target(%arg8 : memref<200x64xf32, #tpu.memory_space<vmem>>) offsets(%dma_start3A_455 : memref<200xi32, #tpu.memory_space<vmem>>) semaphore(%arg16 : memref<!tpu.dma_semaphore, #tpu.memory_space<semaphore_mem>>)
      %dma_wait3A_459 = arith.constant 0 : i32
      %dma_wait3A_460 = tpu.memref_slice %arg5[%dma_wait3A_459] : memref<25600xi32, #tpu.memory_space<vmem>> -> memref<200xi32, #tpu.memory_space<vmem>>
      %dma_wait3A_461 = arith.constant 0 : i32
      %dma_wait3A_462 = arith.constant 0 : i32
      %dma_wait3A_463 = tpu.memref_slice %arg3[%dma_wait3A_461, %dma_wait3A_462] : memref<1000000x64xf32, #tpu.memory_space<hbm>> -> memref<1000000x64xf32, #tpu.memory_space<hbm>>
      tpu.wait_indirect_dma semaphore(%arg20 : memref<!tpu.dma_semaphore, #tpu.memory_space<semaphore_mem>>) src(%dma_wait3A_463 : memref<1000000x64xf32, #tpu.memory_space<hbm>>) dst(%arg12 : memref<200x64xf32, #tpu.memory_space<vmem>>)
      %add3A_464 = arith.addi %mul3A_4, %add3A_442 : i32
      %dma_start3A_465 = arith.constant 0 : i32
      %dma_start3A_466 = arith.constant 0 : i32
      %dma_start3A_467 = tpu.memref_slice %arg4[%add3A_464, %dma_start3A_465, %dma_start3A_466] : memref<4096x200x64xf32, #tpu.memory_space<hbm>> -> memref<1x200x64xf32, #tpu.memory_space<hbm>>
      %dma_start3A_468 = tpu.memref_squeeze %dma_start3A_467 : memref<1x200x64xf32, #tpu.memory_space<hbm>> -> memref<200x64xf32, #tpu.memory_space<hbm>>
      %dma_start3A_469 = arith.constant 0 : i32
      %dma_start3A_470 = arith.constant 0 : i32
      %dma_start3A_471 = tpu.memref_slice %arg4[%add3A_464, %dma_start3A_469, %dma_start3A_470] : memref<4096x200x64xf32, #tpu.memory_space<hbm>> -> memref<1x200x64xf32, #tpu.memory_space<hbm>>
      %dma_start3A_472 = tpu.memref_squeeze %dma_start3A_471 : memref<1x200x64xf32, #tpu.memory_space<hbm>> -> memref<200x64xf32, #tpu.memory_space<hbm>>
      tpu.enqueue_dma source(%arg12 : memref<200x64xf32, #tpu.memory_space<vmem>>) target(%dma_start3A_472 : memref<200x64xf32, #tpu.memory_space<hbm>>) target_semaphore(%arg28 : memref<!tpu.dma_semaphore, #tpu.memory_space<semaphore_mem>>)
      %add3A_473 = arith.constant 3 : i32
      %add3A_474 = arith.addi %add3A_376, %add3A_473 : i32
      %dma_wait3A_475 = arith.constant 0 : i32
      %dma_wait3A_476 = arith.constant 0 : i32
      %dma_wait3A_477 = tpu.memref_slice %arg4[%mul3A_4, %dma_wait3A_475, %dma_wait3A_476] : memref<4096x200x64xf32, #tpu.memory_space<hbm>> -> memref<1x200x64xf32, #tpu.memory_space<hbm>>
      %dma_wait3A_478 = tpu.memref_squeeze %dma_wait3A_477 : memref<1x200x64xf32, #tpu.memory_space<hbm>> -> memref<200x64xf32, #tpu.memory_space<hbm>>
      %dma_wait3A_479 = arith.constant 0 : i32
      %dma_wait3A_480 = arith.constant 0 : i32
      %dma_wait3A_481 = tpu.memref_slice %arg4[%mul3A_4, %dma_wait3A_479, %dma_wait3A_480] : memref<4096x200x64xf32, #tpu.memory_space<hbm>> -> memref<1x200x64xf32, #tpu.memory_space<hbm>>
      %dma_wait3A_482 = tpu.memref_squeeze %dma_wait3A_481 : memref<1x200x64xf32, #tpu.memory_space<hbm>> -> memref<200x64xf32, #tpu.memory_space<hbm>>
      tpu.wait_dma2 semaphore(%arg25 : memref<!tpu.dma_semaphore, #tpu.memory_space<semaphore_mem>>) src(%arg9 : memref<200x64xf32, #tpu.memory_space<vmem>>) dst(%dma_wait3A_482 : memref<200x64xf32, #tpu.memory_space<hbm>>)
      %add3A_483 = arith.constant 4 : i32
      %add3A_484 = arith.addi %add3A_474, %add3A_483 : i32
      %mul3A_485 = arith.constant 200 : i32
      %mul3A_486 = arith.muli %add3A_484, %mul3A_485 : i32
      %dma_start3A_487 = tpu.memref_slice %arg5[%mul3A_486] : memref<25600xi32, #tpu.memory_space<vmem>> -> memref<200xi32, #tpu.memory_space<vmem>>
      %dma_start3A_488 = arith.constant 0 : i32
      %dma_start3A_489 = arith.constant 0 : i32
      %dma_start3A_490 = tpu.memref_slice %arg3[%dma_start3A_488, %dma_start3A_489] : memref<1000000x64xf32, #tpu.memory_space<hbm>> -> memref<1000000x64xf32, #tpu.memory_space<hbm>>
      tpu.enqueue_indirect_dma source(%dma_start3A_490 : memref<1000000x64xf32, #tpu.memory_space<hbm>>) target(%arg9 : memref<200x64xf32, #tpu.memory_space<vmem>>) offsets(%dma_start3A_487 : memref<200xi32, #tpu.memory_space<vmem>>) semaphore(%arg17 : memref<!tpu.dma_semaphore, #tpu.memory_space<semaphore_mem>>)
      %dma_wait3A_491 = arith.constant 0 : i32
      %dma_wait3A_492 = tpu.memref_slice %arg5[%dma_wait3A_491] : memref<25600xi32, #tpu.memory_space<vmem>> -> memref<200xi32, #tpu.memory_space<vmem>>
      %dma_wait3A_493 = arith.constant 0 : i32
      %dma_wait3A_494 = arith.constant 0 : i32
      %dma_wait3A_495 = tpu.memref_slice %arg3[%dma_wait3A_493, %dma_wait3A_494] : memref<1000000x64xf32, #tpu.memory_space<hbm>> -> memref<1000000x64xf32, #tpu.memory_space<hbm>>
      tpu.wait_indirect_dma semaphore(%arg21 : memref<!tpu.dma_semaphore, #tpu.memory_space<semaphore_mem>>) src(%dma_wait3A_495 : memref<1000000x64xf32, #tpu.memory_space<hbm>>) dst(%arg13 : memref<200x64xf32, #tpu.memory_space<vmem>>)
      %add3A_496 = arith.addi %mul3A_4, %add3A_474 : i32
      %dma_start3A_497 = arith.constant 0 : i32
      %dma_start3A_498 = arith.constant 0 : i32
      %dma_start3A_499 = tpu.memref_slice %arg4[%add3A_496, %dma_start3A_497, %dma_start3A_498] : memref<4096x200x64xf32, #tpu.memory_space<hbm>> -> memref<1x200x64xf32, #tpu.memory_space<hbm>>
      %dma_start3A_500 = tpu.memref_squeeze %dma_start3A_499 : memref<1x200x64xf32, #tpu.memory_space<hbm>> -> memref<200x64xf32, #tpu.memory_space<hbm>>
      %dma_start3A_501 = arith.constant 0 : i32
      %dma_start3A_502 = arith.constant 0 : i32
      %dma_start3A_503 = tpu.memref_slice %arg4[%add3A_496, %dma_start3A_501, %dma_start3A_502] : memref<4096x200x64xf32, #tpu.memory_space<hbm>> -> memref<1x200x64xf32, #tpu.memory_space<hbm>>
      %dma_start3A_504 = tpu.memref_squeeze %dma_start3A_503 : memref<1x200x64xf32, #tpu.memory_space<hbm>> -> memref<200x64xf32, #tpu.memory_space<hbm>>
      tpu.enqueue_dma source(%arg13 : memref<200x64xf32, #tpu.memory_space<vmem>>) target(%dma_start3A_504 : memref<200x64xf32, #tpu.memory_space<hbm>>) target_semaphore(%arg29 : memref<!tpu.dma_semaphore, #tpu.memory_space<semaphore_mem>>)
    }
    %scan3A_27 = arith.constant 15 : i32
    %dma_wait3A = arith.constant 0 : i32
    %dma_wait3A_28 = arith.constant 0 : i32
    %dma_wait3A_29 = tpu.memref_slice %arg4[%mul3A_4, %dma_wait3A, %dma_wait3A_28] : memref<4096x200x64xf32, #tpu.memory_space<hbm>> -> memref<1x200x64xf32, #tpu.memory_space<hbm>>
    %dma_wait3A_30 = tpu.memref_squeeze %dma_wait3A_29 : memref<1x200x64xf32, #tpu.memory_space<hbm>> -> memref<200x64xf32, #tpu.memory_space<hbm>>
    %dma_wait3A_31 = arith.constant 0 : i32
    %dma_wait3A_32 = arith.constant 0 : i32
    %dma_wait3A_33 = tpu.memref_slice %arg4[%mul3A_4, %dma_wait3A_31, %dma_wait3A_32] : memref<4096x200x64xf32, #tpu.memory_space<hbm>> -> memref<1x200x64xf32, #tpu.memory_space<hbm>>
    %dma_wait3A_34 = tpu.memref_squeeze %dma_wait3A_33 : memref<1x200x64xf32, #tpu.memory_space<hbm>> -> memref<200x64xf32, #tpu.memory_space<hbm>>
    tpu.wait_dma2 semaphore(%arg26 : memref<!tpu.dma_semaphore, #tpu.memory_space<semaphore_mem>>) src(%arg10 : memref<200x64xf32, #tpu.memory_space<vmem>>) dst(%dma_wait3A_34 : memref<200x64xf32, #tpu.memory_space<hbm>>)
    %dma_start3A_35 = arith.constant 24800 : i32
    %dma_start3A_36 = tpu.memref_slice %arg5[%dma_start3A_35] : memref<25600xi32, #tpu.memory_space<vmem>> -> memref<200xi32, #tpu.memory_space<vmem>>
    %dma_start3A_37 = arith.constant 0 : i32
    %dma_start3A_38 = arith.constant 0 : i32
    %dma_start3A_39 = tpu.memref_slice %arg3[%dma_start3A_37, %dma_start3A_38] : memref<1000000x64xf32, #tpu.memory_space<hbm>> -> memref<1000000x64xf32, #tpu.memory_space<hbm>>
    tpu.enqueue_indirect_dma source(%dma_start3A_39 : memref<1000000x64xf32, #tpu.memory_space<hbm>>) target(%arg10 : memref<200x64xf32, #tpu.memory_space<vmem>>) offsets(%dma_start3A_36 : memref<200xi32, #tpu.memory_space<vmem>>) semaphore(%arg18 : memref<!tpu.dma_semaphore, #tpu.memory_space<semaphore_mem>>)
    %dma_wait3A_40 = arith.constant 0 : i32
    %dma_wait3A_41 = tpu.memref_slice %arg5[%dma_wait3A_40] : memref<25600xi32, #tpu.memory_space<vmem>> -> memref<200xi32, #tpu.memory_space<vmem>>
    %dma_wait3A_42 = arith.constant 0 : i32
    %dma_wait3A_43 = arith.constant 0 : i32
    %dma_wait3A_44 = tpu.memref_slice %arg3[%dma_wait3A_42, %dma_wait3A_43] : memref<1000000x64xf32, #tpu.memory_space<hbm>> -> memref<1000000x64xf32, #tpu.memory_space<hbm>>
    tpu.wait_indirect_dma semaphore(%arg14 : memref<!tpu.dma_semaphore, #tpu.memory_space<semaphore_mem>>) src(%dma_wait3A_44 : memref<1000000x64xf32, #tpu.memory_space<hbm>>) dst(%arg6 : memref<200x64xf32, #tpu.memory_space<vmem>>)
    %add3A_45 = arith.constant 120 : i32
    %add3A_46 = arith.addi %mul3A_4, %add3A_45 : i32
    %dma_start3A_47 = arith.constant 0 : i32
    %dma_start3A_48 = arith.constant 0 : i32
    %dma_start3A_49 = tpu.memref_slice %arg4[%add3A_46, %dma_start3A_47, %dma_start3A_48] : memref<4096x200x64xf32, #tpu.memory_space<hbm>> -> memref<1x200x64xf32, #tpu.memory_space<hbm>>
    %dma_start3A_50 = tpu.memref_squeeze %dma_start3A_49 : memref<1x200x64xf32, #tpu.memory_space<hbm>> -> memref<200x64xf32, #tpu.memory_space<hbm>>
    %dma_start3A_51 = arith.constant 0 : i32
    %dma_start3A_52 = arith.constant 0 : i32
    %dma_start3A_53 = tpu.memref_slice %arg4[%add3A_46, %dma_start3A_51, %dma_start3A_52] : memref<4096x200x64xf32, #tpu.memory_space<hbm>> -> memref<1x200x64xf32, #tpu.memory_space<hbm>>
    %dma_start3A_54 = tpu.memref_squeeze %dma_start3A_53 : memref<1x200x64xf32, #tpu.memory_space<hbm>> -> memref<200x64xf32, #tpu.memory_space<hbm>>
    tpu.enqueue_dma source(%arg6 : memref<200x64xf32, #tpu.memory_space<vmem>>) target(%dma_start3A_54 : memref<200x64xf32, #tpu.memory_space<hbm>>) target_semaphore(%arg22 : memref<!tpu.dma_semaphore, #tpu.memory_space<semaphore_mem>>)
    %dma_wait3A_55 = arith.constant 0 : i32
    %dma_wait3A_56 = arith.constant 0 : i32
    %dma_wait3A_57 = tpu.memref_slice %arg4[%mul3A_4, %dma_wait3A_55, %dma_wait3A_56] : memref<4096x200x64xf32, #tpu.memory_space<hbm>> -> memref<1x200x64xf32, #tpu.memory_space<hbm>>
    %dma_wait3A_58 = tpu.memref_squeeze %dma_wait3A_57 : memref<1x200x64xf32, #tpu.memory_space<hbm>> -> memref<200x64xf32, #tpu.memory_space<hbm>>
    %dma_wait3A_59 = arith.constant 0 : i32
    %dma_wait3A_60 = arith.constant 0 : i32
    %dma_wait3A_61 = tpu.memref_slice %arg4[%mul3A_4, %dma_wait3A_59, %dma_wait3A_60] : memref<4096x200x64xf32, #tpu.memory_space<hbm>> -> memref<1x200x64xf32, #tpu.memory_space<hbm>>
    %dma_wait3A_62 = tpu.memref_squeeze %dma_wait3A_61 : memref<1x200x64xf32, #tpu.memory_space<hbm>> -> memref<200x64xf32, #tpu.memory_space<hbm>>
    tpu.wait_dma2 semaphore(%arg27 : memref<!tpu.dma_semaphore, #tpu.memory_space<semaphore_mem>>) src(%arg11 : memref<200x64xf32, #tpu.memory_space<vmem>>) dst(%dma_wait3A_62 : memref<200x64xf32, #tpu.memory_space<hbm>>)
    %dma_start3A_63 = arith.constant 25000 : i32
    %dma_start3A_64 = tpu.memref_slice %arg5[%dma_start3A_63] : memref<25600xi32, #tpu.memory_space<vmem>> -> memref<200xi32, #tpu.memory_space<vmem>>
    %dma_start3A_65 = arith.constant 0 : i32
    %dma_start3A_66 = arith.constant 0 : i32
    %dma_start3A_67 = tpu.memref_slice %arg3[%dma_start3A_65, %dma_start3A_66] : memref<1000000x64xf32, #tpu.memory_space<hbm>> -> memref<1000000x64xf32, #tpu.memory_space<hbm>>
    tpu.enqueue_indirect_dma source(%dma_start3A_67 : memref<1000000x64xf32, #tpu.memory_space<hbm>>) target(%arg11 : memref<200x64xf32, #tpu.memory_space<vmem>>) offsets(%dma_start3A_64 : memref<200xi32, #tpu.memory_space<vmem>>) semaphore(%arg19 : memref<!tpu.dma_semaphore, #tpu.memory_space<semaphore_mem>>)
    %dma_wait3A_68 = arith.constant 0 : i32
    %dma_wait3A_69 = tpu.memref_slice %arg5[%dma_wait3A_68] : memref<25600xi32, #tpu.memory_space<vmem>> -> memref<200xi32, #tpu.memory_space<vmem>>
    %dma_wait3A_70 = arith.constant 0 : i32
    %dma_wait3A_71 = arith.constant 0 : i32
    %dma_wait3A_72 = tpu.memref_slice %arg3[%dma_wait3A_70, %dma_wait3A_71] : memref<1000000x64xf32, #tpu.memory_space<hbm>> -> memref<1000000x64xf32, #tpu.memory_space<hbm>>
    tpu.wait_indirect_dma semaphore(%arg15 : memref<!tpu.dma_semaphore, #tpu.memory_space<semaphore_mem>>) src(%dma_wait3A_72 : memref<1000000x64xf32, #tpu.memory_space<hbm>>) dst(%arg7 : memref<200x64xf32, #tpu.memory_space<vmem>>)
    %add3A_73 = arith.constant 121 : i32
    %add3A_74 = arith.addi %mul3A_4, %add3A_73 : i32
    %dma_start3A_75 = arith.constant 0 : i32
    %dma_start3A_76 = arith.constant 0 : i32
    %dma_start3A_77 = tpu.memref_slice %arg4[%add3A_74, %dma_start3A_75, %dma_start3A_76] : memref<4096x200x64xf32, #tpu.memory_space<hbm>> -> memref<1x200x64xf32, #tpu.memory_space<hbm>>
    %dma_start3A_78 = tpu.memref_squeeze %dma_start3A_77 : memref<1x200x64xf32, #tpu.memory_space<hbm>> -> memref<200x64xf32, #tpu.memory_space<hbm>>
    %dma_start3A_79 = arith.constant 0 : i32
    %dma_start3A_80 = arith.constant 0 : i32
    %dma_start3A_81 = tpu.memref_slice %arg4[%add3A_74, %dma_start3A_79, %dma_start3A_80] : memref<4096x200x64xf32, #tpu.memory_space<hbm>> -> memref<1x200x64xf32, #tpu.memory_space<hbm>>
    %dma_start3A_82 = tpu.memref_squeeze %dma_start3A_81 : memref<1x200x64xf32, #tpu.memory_space<hbm>> -> memref<200x64xf32, #tpu.memory_space<hbm>>
    tpu.enqueue_dma source(%arg7 : memref<200x64xf32, #tpu.memory_space<vmem>>) target(%dma_start3A_82 : memref<200x64xf32, #tpu.memory_space<hbm>>) target_semaphore(%arg23 : memref<!tpu.dma_semaphore, #tpu.memory_space<semaphore_mem>>)
    %dma_wait3A_83 = arith.constant 0 : i32
    %dma_wait3A_84 = arith.constant 0 : i32
    %dma_wait3A_85 = tpu.memref_slice %arg4[%mul3A_4, %dma_wait3A_83, %dma_wait3A_84] : memref<4096x200x64xf32, #tpu.memory_space<hbm>> -> memref<1x200x64xf32, #tpu.memory_space<hbm>>
    %dma_wait3A_86 = tpu.memref_squeeze %dma_wait3A_85 : memref<1x200x64xf32, #tpu.memory_space<hbm>> -> memref<200x64xf32, #tpu.memory_space<hbm>>
    %dma_wait3A_87 = arith.constant 0 : i32
    %dma_wait3A_88 = arith.constant 0 : i32
    %dma_wait3A_89 = tpu.memref_slice %arg4[%mul3A_4, %dma_wait3A_87, %dma_wait3A_88] : memref<4096x200x64xf32, #tpu.memory_space<hbm>> -> memref<1x200x64xf32, #tpu.memory_space<hbm>>
    %dma_wait3A_90 = tpu.memref_squeeze %dma_wait3A_89 : memref<1x200x64xf32, #tpu.memory_space<hbm>> -> memref<200x64xf32, #tpu.memory_space<hbm>>
    tpu.wait_dma2 semaphore(%arg28 : memref<!tpu.dma_semaphore, #tpu.memory_space<semaphore_mem>>) src(%arg12 : memref<200x64xf32, #tpu.memory_space<vmem>>) dst(%dma_wait3A_90 : memref<200x64xf32, #tpu.memory_space<hbm>>)
    %dma_start3A_91 = arith.constant 25200 : i32
    %dma_start3A_92 = tpu.memref_slice %arg5[%dma_start3A_91] : memref<25600xi32, #tpu.memory_space<vmem>> -> memref<200xi32, #tpu.memory_space<vmem>>
    %dma_start3A_93 = arith.constant 0 : i32
    %dma_start3A_94 = arith.constant 0 : i32
    %dma_start3A_95 = tpu.memref_slice %arg3[%dma_start3A_93, %dma_start3A_94] : memref<1000000x64xf32, #tpu.memory_space<hbm>> -> memref<1000000x64xf32, #tpu.memory_space<hbm>>
    tpu.enqueue_indirect_dma source(%dma_start3A_95 : memref<1000000x64xf32, #tpu.memory_space<hbm>>) target(%arg12 : memref<200x64xf32, #tpu.memory_space<vmem>>) offsets(%dma_start3A_92 : memref<200xi32, #tpu.memory_space<vmem>>) semaphore(%arg20 : memref<!tpu.dma_semaphore, #tpu.memory_space<semaphore_mem>>)
    %dma_wait3A_96 = arith.constant 0 : i32
    %dma_wait3A_97 = tpu.memref_slice %arg5[%dma_wait3A_96] : memref<25600xi32, #tpu.memory_space<vmem>> -> memref<200xi32, #tpu.memory_space<vmem>>
    %dma_wait3A_98 = arith.constant 0 : i32
    %dma_wait3A_99 = arith.constant 0 : i32
    %dma_wait3A_100 = tpu.memref_slice %arg3[%dma_wait3A_98, %dma_wait3A_99] : memref<1000000x64xf32, #tpu.memory_space<hbm>> -> memref<1000000x64xf32, #tpu.memory_space<hbm>>
    tpu.wait_indirect_dma semaphore(%arg16 : memref<!tpu.dma_semaphore, #tpu.memory_space<semaphore_mem>>) src(%dma_wait3A_100 : memref<1000000x64xf32, #tpu.memory_space<hbm>>) dst(%arg8 : memref<200x64xf32, #tpu.memory_space<vmem>>)
    %add3A_101 = arith.constant 122 : i32
    %add3A_102 = arith.addi %mul3A_4, %add3A_101 : i32
    %dma_start3A_103 = arith.constant 0 : i32
    %dma_start3A_104 = arith.constant 0 : i32
    %dma_start3A_105 = tpu.memref_slice %arg4[%add3A_102, %dma_start3A_103, %dma_start3A_104] : memref<4096x200x64xf32, #tpu.memory_space<hbm>> -> memref<1x200x64xf32, #tpu.memory_space<hbm>>
    %dma_start3A_106 = tpu.memref_squeeze %dma_start3A_105 : memref<1x200x64xf32, #tpu.memory_space<hbm>> -> memref<200x64xf32, #tpu.memory_space<hbm>>
    %dma_start3A_107 = arith.constant 0 : i32
    %dma_start3A_108 = arith.constant 0 : i32
    %dma_start3A_109 = tpu.memref_slice %arg4[%add3A_102, %dma_start3A_107, %dma_start3A_108] : memref<4096x200x64xf32, #tpu.memory_space<hbm>> -> memref<1x200x64xf32, #tpu.memory_space<hbm>>
    %dma_start3A_110 = tpu.memref_squeeze %dma_start3A_109 : memref<1x200x64xf32, #tpu.memory_space<hbm>> -> memref<200x64xf32, #tpu.memory_space<hbm>>
    tpu.enqueue_dma source(%arg8 : memref<200x64xf32, #tpu.memory_space<vmem>>) target(%dma_start3A_110 : memref<200x64xf32, #tpu.memory_space<hbm>>) target_semaphore(%arg24 : memref<!tpu.dma_semaphore, #tpu.memory_space<semaphore_mem>>)
    %dma_wait3A_111 = arith.constant 0 : i32
    %dma_wait3A_112 = arith.constant 0 : i32
    %dma_wait3A_113 = tpu.memref_slice %arg4[%mul3A_4, %dma_wait3A_111, %dma_wait3A_112] : memref<4096x200x64xf32, #tpu.memory_space<hbm>> -> memref<1x200x64xf32, #tpu.memory_space<hbm>>
    %dma_wait3A_114 = tpu.memref_squeeze %dma_wait3A_113 : memref<1x200x64xf32, #tpu.memory_space<hbm>> -> memref<200x64xf32, #tpu.memory_space<hbm>>
    %dma_wait3A_115 = arith.constant 0 : i32
    %dma_wait3A_116 = arith.constant 0 : i32
    %dma_wait3A_117 = tpu.memref_slice %arg4[%mul3A_4, %dma_wait3A_115, %dma_wait3A_116] : memref<4096x200x64xf32, #tpu.memory_space<hbm>> -> memref<1x200x64xf32, #tpu.memory_space<hbm>>
    %dma_wait3A_118 = tpu.memref_squeeze %dma_wait3A_117 : memref<1x200x64xf32, #tpu.memory_space<hbm>> -> memref<200x64xf32, #tpu.memory_space<hbm>>
    tpu.wait_dma2 semaphore(%arg29 : memref<!tpu.dma_semaphore, #tpu.memory_space<semaphore_mem>>) src(%arg13 : memref<200x64xf32, #tpu.memory_space<vmem>>) dst(%dma_wait3A_118 : memref<200x64xf32, #tpu.memory_space<hbm>>)
    %dma_start3A_119 = arith.constant 25400 : i32
    %dma_start3A_120 = tpu.memref_slice %arg5[%dma_start3A_119] : memref<25600xi32, #tpu.memory_space<vmem>> -> memref<200xi32, #tpu.memory_space<vmem>>
    %dma_start3A_121 = arith.constant 0 : i32
    %dma_start3A_122 = arith.constant 0 : i32
    %dma_start3A_123 = tpu.memref_slice %arg3[%dma_start3A_121, %dma_start3A_122] : memref<1000000x64xf32, #tpu.memory_space<hbm>> -> memref<1000000x64xf32, #tpu.memory_space<hbm>>
    tpu.enqueue_indirect_dma source(%dma_start3A_123 : memref<1000000x64xf32, #tpu.memory_space<hbm>>) target(%arg13 : memref<200x64xf32, #tpu.memory_space<vmem>>) offsets(%dma_start3A_120 : memref<200xi32, #tpu.memory_space<vmem>>) semaphore(%arg21 : memref<!tpu.dma_semaphore, #tpu.memory_space<semaphore_mem>>)
    %dma_wait3A_124 = arith.constant 0 : i32
    %dma_wait3A_125 = tpu.memref_slice %arg5[%dma_wait3A_124] : memref<25600xi32, #tpu.memory_space<vmem>> -> memref<200xi32, #tpu.memory_space<vmem>>
    %dma_wait3A_126 = arith.constant 0 : i32
    %dma_wait3A_127 = arith.constant 0 : i32
    %dma_wait3A_128 = tpu.memref_slice %arg3[%dma_wait3A_126, %dma_wait3A_127] : memref<1000000x64xf32, #tpu.memory_space<hbm>> -> memref<1000000x64xf32, #tpu.memory_space<hbm>>
    tpu.wait_indirect_dma semaphore(%arg17 : memref<!tpu.dma_semaphore, #tpu.memory_space<semaphore_mem>>) src(%dma_wait3A_128 : memref<1000000x64xf32, #tpu.memory_space<hbm>>) dst(%arg9 : memref<200x64xf32, #tpu.memory_space<vmem>>)
    %add3A_129 = arith.constant 123 : i32
    %add3A_130 = arith.addi %mul3A_4, %add3A_129 : i32
    %dma_start3A_131 = arith.constant 0 : i32
    %dma_start3A_132 = arith.constant 0 : i32
    %dma_start3A_133 = tpu.memref_slice %arg4[%add3A_130, %dma_start3A_131, %dma_start3A_132] : memref<4096x200x64xf32, #tpu.memory_space<hbm>> -> memref<1x200x64xf32, #tpu.memory_space<hbm>>
    %dma_start3A_134 = tpu.memref_squeeze %dma_start3A_133 : memref<1x200x64xf32, #tpu.memory_space<hbm>> -> memref<200x64xf32, #tpu.memory_space<hbm>>
    %dma_start3A_135 = arith.constant 0 : i32
    %dma_start3A_136 = arith.constant 0 : i32
    %dma_start3A_137 = tpu.memref_slice %arg4[%add3A_130, %dma_start3A_135, %dma_start3A_136] : memref<4096x200x64xf32, #tpu.memory_space<hbm>> -> memref<1x200x64xf32, #tpu.memory_space<hbm>>
    %dma_start3A_138 = tpu.memref_squeeze %dma_start3A_137 : memref<1x200x64xf32, #tpu.memory_space<hbm>> -> memref<200x64xf32, #tpu.memory_space<hbm>>
    tpu.enqueue_dma source(%arg9 : memref<200x64xf32, #tpu.memory_space<vmem>>) target(%dma_start3A_138 : memref<200x64xf32, #tpu.memory_space<hbm>>) target_semaphore(%arg25 : memref<!tpu.dma_semaphore, #tpu.memory_space<semaphore_mem>>)
    %dma_wait3A_139 = arith.constant 0 : i32
    %dma_wait3A_140 = tpu.memref_slice %arg5[%dma_wait3A_139] : memref<25600xi32, #tpu.memory_space<vmem>> -> memref<200xi32, #tpu.memory_space<vmem>>
    %dma_wait3A_141 = arith.constant 0 : i32
    %dma_wait3A_142 = arith.constant 0 : i32
    %dma_wait3A_143 = tpu.memref_slice %arg3[%dma_wait3A_141, %dma_wait3A_142] : memref<1000000x64xf32, #tpu.memory_space<hbm>> -> memref<1000000x64xf32, #tpu.memory_space<hbm>>
    tpu.wait_indirect_dma semaphore(%arg18 : memref<!tpu.dma_semaphore, #tpu.memory_space<semaphore_mem>>) src(%dma_wait3A_143 : memref<1000000x64xf32, #tpu.memory_space<hbm>>) dst(%arg10 : memref<200x64xf32, #tpu.memory_space<vmem>>)
    %add3A_144 = arith.constant 124 : i32
    %add3A_145 = arith.addi %mul3A_4, %add3A_144 : i32
    %dma_start3A_146 = arith.constant 0 : i32
    %dma_start3A_147 = arith.constant 0 : i32
    %dma_start3A_148 = tpu.memref_slice %arg4[%add3A_145, %dma_start3A_146, %dma_start3A_147] : memref<4096x200x64xf32, #tpu.memory_space<hbm>> -> memref<1x200x64xf32, #tpu.memory_space<hbm>>
    %dma_start3A_149 = tpu.memref_squeeze %dma_start3A_148 : memref<1x200x64xf32, #tpu.memory_space<hbm>> -> memref<200x64xf32, #tpu.memory_space<hbm>>
    %dma_start3A_150 = arith.constant 0 : i32
    %dma_start3A_151 = arith.constant 0 : i32
    %dma_start3A_152 = tpu.memref_slice %arg4[%add3A_145, %dma_start3A_150, %dma_start3A_151] : memref<4096x200x64xf32, #tpu.memory_space<hbm>> -> memref<1x200x64xf32, #tpu.memory_space<hbm>>
    %dma_start3A_153 = tpu.memref_squeeze %dma_start3A_152 : memref<1x200x64xf32, #tpu.memory_space<hbm>> -> memref<200x64xf32, #tpu.memory_space<hbm>>
    tpu.enqueue_dma source(%arg10 : memref<200x64xf32, #tpu.memory_space<vmem>>) target(%dma_start3A_153 : memref<200x64xf32, #tpu.memory_space<hbm>>) target_semaphore(%arg26 : memref<!tpu.dma_semaphore, #tpu.memory_space<semaphore_mem>>)
    %dma_wait3A_154 = arith.constant 0 : i32
    %dma_wait3A_155 = tpu.memref_slice %arg5[%dma_wait3A_154] : memref<25600xi32, #tpu.memory_space<vmem>> -> memref<200xi32, #tpu.memory_space<vmem>>
    %dma_wait3A_156 = arith.constant 0 : i32
    %dma_wait3A_157 = arith.constant 0 : i32
    %dma_wait3A_158 = tpu.memref_slice %arg3[%dma_wait3A_156, %dma_wait3A_157] : memref<1000000x64xf32, #tpu.memory_space<hbm>> -> memref<1000000x64xf32, #tpu.memory_space<hbm>>
    tpu.wait_indirect_dma semaphore(%arg19 : memref<!tpu.dma_semaphore, #tpu.memory_space<semaphore_mem>>) src(%dma_wait3A_158 : memref<1000000x64xf32, #tpu.memory_space<hbm>>) dst(%arg11 : memref<200x64xf32, #tpu.memory_space<vmem>>)
    %add3A_159 = arith.constant 125 : i32
    %add3A_160 = arith.addi %mul3A_4, %add3A_159 : i32
    %dma_start3A_161 = arith.constant 0 : i32
    %dma_start3A_162 = arith.constant 0 : i32
    %dma_start3A_163 = tpu.memref_slice %arg4[%add3A_160, %dma_start3A_161, %dma_start3A_162] : memref<4096x200x64xf32, #tpu.memory_space<hbm>> -> memref<1x200x64xf32, #tpu.memory_space<hbm>>
    %dma_start3A_164 = tpu.memref_squeeze %dma_start3A_163 : memref<1x200x64xf32, #tpu.memory_space<hbm>> -> memref<200x64xf32, #tpu.memory_space<hbm>>
    %dma_start3A_165 = arith.constant 0 : i32
    %dma_start3A_166 = arith.constant 0 : i32
    %dma_start3A_167 = tpu.memref_slice %arg4[%add3A_160, %dma_start3A_165, %dma_start3A_166] : memref<4096x200x64xf32, #tpu.memory_space<hbm>> -> memref<1x200x64xf32, #tpu.memory_space<hbm>>
    %dma_start3A_168 = tpu.memref_squeeze %dma_start3A_167 : memref<1x200x64xf32, #tpu.memory_space<hbm>> -> memref<200x64xf32, #tpu.memory_space<hbm>>
    tpu.enqueue_dma source(%arg11 : memref<200x64xf32, #tpu.memory_space<vmem>>) target(%dma_start3A_168 : memref<200x64xf32, #tpu.memory_space<hbm>>) target_semaphore(%arg27 : memref<!tpu.dma_semaphore, #tpu.memory_space<semaphore_mem>>)
    %dma_wait3A_169 = arith.constant 0 : i32
    %dma_wait3A_170 = tpu.memref_slice %arg5[%dma_wait3A_169] : memref<25600xi32, #tpu.memory_space<vmem>> -> memref<200xi32, #tpu.memory_space<vmem>>
    %dma_wait3A_171 = arith.constant 0 : i32
    %dma_wait3A_172 = arith.constant 0 : i32
    %dma_wait3A_173 = tpu.memref_slice %arg3[%dma_wait3A_171, %dma_wait3A_172] : memref<1000000x64xf32, #tpu.memory_space<hbm>> -> memref<1000000x64xf32, #tpu.memory_space<hbm>>
    tpu.wait_indirect_dma semaphore(%arg20 : memref<!tpu.dma_semaphore, #tpu.memory_space<semaphore_mem>>) src(%dma_wait3A_173 : memref<1000000x64xf32, #tpu.memory_space<hbm>>) dst(%arg12 : memref<200x64xf32, #tpu.memory_space<vmem>>)
    %add3A_174 = arith.constant 126 : i32
    %add3A_175 = arith.addi %mul3A_4, %add3A_174 : i32
    %dma_start3A_176 = arith.constant 0 : i32
    %dma_start3A_177 = arith.constant 0 : i32
    %dma_start3A_178 = tpu.memref_slice %arg4[%add3A_175, %dma_start3A_176, %dma_start3A_177] : memref<4096x200x64xf32, #tpu.memory_space<hbm>> -> memref<1x200x64xf32, #tpu.memory_space<hbm>>
    %dma_start3A_179 = tpu.memref_squeeze %dma_start3A_178 : memref<1x200x64xf32, #tpu.memory_space<hbm>> -> memref<200x64xf32, #tpu.memory_space<hbm>>
    %dma_start3A_180 = arith.constant 0 : i32
    %dma_start3A_181 = arith.constant 0 : i32
    %dma_start3A_182 = tpu.memref_slice %arg4[%add3A_175, %dma_start3A_180, %dma_start3A_181] : memref<4096x200x64xf32, #tpu.memory_space<hbm>> -> memref<1x200x64xf32, #tpu.memory_space<hbm>>
    %dma_start3A_183 = tpu.memref_squeeze %dma_start3A_182 : memref<1x200x64xf32, #tpu.memory_space<hbm>> -> memref<200x64xf32, #tpu.memory_space<hbm>>
    tpu.enqueue_dma source(%arg12 : memref<200x64xf32, #tpu.memory_space<vmem>>) target(%dma_start3A_183 : memref<200x64xf32, #tpu.memory_space<hbm>>) target_semaphore(%arg28 : memref<!tpu.dma_semaphore, #tpu.memory_space<semaphore_mem>>)
    %dma_wait3A_184 = arith.constant 0 : i32
    %dma_wait3A_185 = tpu.memref_slice %arg5[%dma_wait3A_184] : memref<25600xi32, #tpu.memory_space<vmem>> -> memref<200xi32, #tpu.memory_space<vmem>>
    %dma_wait3A_186 = arith.constant 0 : i32
    %dma_wait3A_187 = arith.constant 0 : i32
    %dma_wait3A_188 = tpu.memref_slice %arg3[%dma_wait3A_186, %dma_wait3A_187] : memref<1000000x64xf32, #tpu.memory_space<hbm>> -> memref<1000000x64xf32, #tpu.memory_space<hbm>>
    tpu.wait_indirect_dma semaphore(%arg21 : memref<!tpu.dma_semaphore, #tpu.memory_space<semaphore_mem>>) src(%dma_wait3A_188 : memref<1000000x64xf32, #tpu.memory_space<hbm>>) dst(%arg13 : memref<200x64xf32, #tpu.memory_space<vmem>>)
    %add3A_189 = arith.constant 127 : i32
    %add3A_190 = arith.addi %mul3A_4, %add3A_189 : i32
    %dma_start3A_191 = arith.constant 0 : i32
    %dma_start3A_192 = arith.constant 0 : i32
    %dma_start3A_193 = tpu.memref_slice %arg4[%add3A_190, %dma_start3A_191, %dma_start3A_192] : memref<4096x200x64xf32, #tpu.memory_space<hbm>> -> memref<1x200x64xf32, #tpu.memory_space<hbm>>
    %dma_start3A_194 = tpu.memref_squeeze %dma_start3A_193 : memref<1x200x64xf32, #tpu.memory_space<hbm>> -> memref<200x64xf32, #tpu.memory_space<hbm>>
    %dma_start3A_195 = arith.constant 0 : i32
    %dma_start3A_196 = arith.constant 0 : i32
    %dma_start3A_197 = tpu.memref_slice %arg4[%add3A_190, %dma_start3A_195, %dma_start3A_196] : memref<4096x200x64xf32, #tpu.memory_space<hbm>> -> memref<1x200x64xf32, #tpu.memory_space<hbm>>
    %dma_start3A_198 = tpu.memref_squeeze %dma_start3A_197 : memref<1x200x64xf32, #tpu.memory_space<hbm>> -> memref<200x64xf32, #tpu.memory_space<hbm>>
    tpu.enqueue_dma source(%arg13 : memref<200x64xf32, #tpu.memory_space<vmem>>) target(%dma_start3A_198 : memref<200x64xf32, #tpu.memory_space<hbm>>) target_semaphore(%arg29 : memref<!tpu.dma_semaphore, #tpu.memory_space<semaphore_mem>>)
    %dma_wait3A_199 = arith.constant 0 : i32
    %dma_wait3A_200 = arith.constant 0 : i32
    %dma_wait3A_201 = tpu.memref_slice %arg4[%mul3A_4, %dma_wait3A_199, %dma_wait3A_200] : memref<4096x200x64xf32, #tpu.memory_space<hbm>> -> memref<1x200x64xf32, #tpu.memory_space<hbm>>
    %dma_wait3A_202 = tpu.memref_squeeze %dma_wait3A_201 : memref<1x200x64xf32, #tpu.memory_space<hbm>> -> memref<200x64xf32, #tpu.memory_space<hbm>>
    %dma_wait3A_203 = arith.constant 0 : i32
    %dma_wait3A_204 = arith.constant 0 : i32
    %dma_wait3A_205 = tpu.memref_slice %arg4[%mul3A_4, %dma_wait3A_203, %dma_wait3A_204] : memref<4096x200x64xf32, #tpu.memory_space<hbm>> -> memref<1x200x64xf32, #tpu.memory_space<hbm>>
    %dma_wait3A_206 = tpu.memref_squeeze %dma_wait3A_205 : memref<1x200x64xf32, #tpu.memory_space<hbm>> -> memref<200x64xf32, #tpu.memory_space<hbm>>
    tpu.wait_dma2 semaphore(%arg22 : memref<!tpu.dma_semaphore, #tpu.memory_space<semaphore_mem>>) src(%arg6 : memref<200x64xf32, #tpu.memory_space<vmem>>) dst(%dma_wait3A_206 : memref<200x64xf32, #tpu.memory_space<hbm>>)
    %dma_wait3A_207 = arith.constant 0 : i32
    %dma_wait3A_208 = arith.constant 0 : i32
    %dma_wait3A_209 = tpu.memref_slice %arg4[%mul3A_4, %dma_wait3A_207, %dma_wait3A_208] : memref<4096x200x64xf32, #tpu.memory_space<hbm>> -> memref<1x200x64xf32, #tpu.memory_space<hbm>>
    %dma_wait3A_210 = tpu.memref_squeeze %dma_wait3A_209 : memref<1x200x64xf32, #tpu.memory_space<hbm>> -> memref<200x64xf32, #tpu.memory_space<hbm>>
    %dma_wait3A_211 = arith.constant 0 : i32
    %dma_wait3A_212 = arith.constant 0 : i32
    %dma_wait3A_213 = tpu.memref_slice %arg4[%mul3A_4, %dma_wait3A_211, %dma_wait3A_212] : memref<4096x200x64xf32, #tpu.memory_space<hbm>> -> memref<1x200x64xf32, #tpu.memory_space<hbm>>
    %dma_wait3A_214 = tpu.memref_squeeze %dma_wait3A_213 : memref<1x200x64xf32, #tpu.memory_space<hbm>> -> memref<200x64xf32, #tpu.memory_space<hbm>>
    tpu.wait_dma2 semaphore(%arg23 : memref<!tpu.dma_semaphore, #tpu.memory_space<semaphore_mem>>) src(%arg7 : memref<200x64xf32, #tpu.memory_space<vmem>>) dst(%dma_wait3A_214 : memref<200x64xf32, #tpu.memory_space<hbm>>)
    %dma_wait3A_215 = arith.constant 0 : i32
    %dma_wait3A_216 = arith.constant 0 : i32
    %dma_wait3A_217 = tpu.memref_slice %arg4[%mul3A_4, %dma_wait3A_215, %dma_wait3A_216] : memref<4096x200x64xf32, #tpu.memory_space<hbm>> -> memref<1x200x64xf32, #tpu.memory_space<hbm>>
    %dma_wait3A_218 = tpu.memref_squeeze %dma_wait3A_217 : memref<1x200x64xf32, #tpu.memory_space<hbm>> -> memref<200x64xf32, #tpu.memory_space<hbm>>
    %dma_wait3A_219 = arith.constant 0 : i32
    %dma_wait3A_220 = arith.constant 0 : i32
    %dma_wait3A_221 = tpu.memref_slice %arg4[%mul3A_4, %dma_wait3A_219, %dma_wait3A_220] : memref<4096x200x64xf32, #tpu.memory_space<hbm>> -> memref<1x200x64xf32, #tpu.memory_space<hbm>>
    %dma_wait3A_222 = tpu.memref_squeeze %dma_wait3A_221 : memref<1x200x64xf32, #tpu.memory_space<hbm>> -> memref<200x64xf32, #tpu.memory_space<hbm>>
    tpu.wait_dma2 semaphore(%arg24 : memref<!tpu.dma_semaphore, #tpu.memory_space<semaphore_mem>>) src(%arg8 : memref<200x64xf32, #tpu.memory_space<vmem>>) dst(%dma_wait3A_222 : memref<200x64xf32, #tpu.memory_space<hbm>>)
    %dma_wait3A_223 = arith.constant 0 : i32
    %dma_wait3A_224 = arith.constant 0 : i32
    %dma_wait3A_225 = tpu.memref_slice %arg4[%mul3A_4, %dma_wait3A_223, %dma_wait3A_224] : memref<4096x200x64xf32, #tpu.memory_space<hbm>> -> memref<1x200x64xf32, #tpu.memory_space<hbm>>
    %dma_wait3A_226 = tpu.memref_squeeze %dma_wait3A_225 : memref<1x200x64xf32, #tpu.memory_space<hbm>> -> memref<200x64xf32, #tpu.memory_space<hbm>>
    %dma_wait3A_227 = arith.constant 0 : i32
    %dma_wait3A_228 = arith.constant 0 : i32
    %dma_wait3A_229 = tpu.memref_slice %arg4[%mul3A_4, %dma_wait3A_227, %dma_wait3A_228] : memref<4096x200x64xf32, #tpu.memory_space<hbm>> -> memref<1x200x64xf32, #tpu.memory_space<hbm>>
    %dma_wait3A_230 = tpu.memref_squeeze %dma_wait3A_229 : memref<1x200x64xf32, #tpu.memory_space<hbm>> -> memref<200x64xf32, #tpu.memory_space<hbm>>
    tpu.wait_dma2 semaphore(%arg25 : memref<!tpu.dma_semaphore, #tpu.memory_space<semaphore_mem>>) src(%arg9 : memref<200x64xf32, #tpu.memory_space<vmem>>) dst(%dma_wait3A_230 : memref<200x64xf32, #tpu.memory_space<hbm>>)
    %dma_wait3A_231 = arith.constant 0 : i32
    %dma_wait3A_232 = arith.constant 0 : i32
    %dma_wait3A_233 = tpu.memref_slice %arg4[%mul3A_4, %dma_wait3A_231, %dma_wait3A_232] : memref<4096x200x64xf32, #tpu.memory_space<hbm>> -> memref<1x200x64xf32, #tpu.memory_space<hbm>>
    %dma_wait3A_234 = tpu.memref_squeeze %dma_wait3A_233 : memref<1x200x64xf32, #tpu.memory_space<hbm>> -> memref<200x64xf32, #tpu.memory_space<hbm>>
    %dma_wait3A_235 = arith.constant 0 : i32
    %dma_wait3A_236 = arith.constant 0 : i32
    %dma_wait3A_237 = tpu.memref_slice %arg4[%mul3A_4, %dma_wait3A_235, %dma_wait3A_236] : memref<4096x200x64xf32, #tpu.memory_space<hbm>> -> memref<1x200x64xf32, #tpu.memory_space<hbm>>
    %dma_wait3A_238 = tpu.memref_squeeze %dma_wait3A_237 : memref<1x200x64xf32, #tpu.memory_space<hbm>> -> memref<200x64xf32, #tpu.memory_space<hbm>>
    tpu.wait_dma2 semaphore(%arg26 : memref<!tpu.dma_semaphore, #tpu.memory_space<semaphore_mem>>) src(%arg10 : memref<200x64xf32, #tpu.memory_space<vmem>>) dst(%dma_wait3A_238 : memref<200x64xf32, #tpu.memory_space<hbm>>)
    %dma_wait3A_239 = arith.constant 0 : i32
    %dma_wait3A_240 = arith.constant 0 : i32
    %dma_wait3A_241 = tpu.memref_slice %arg4[%mul3A_4, %dma_wait3A_239, %dma_wait3A_240] : memref<4096x200x64xf32, #tpu.memory_space<hbm>> -> memref<1x200x64xf32, #tpu.memory_space<hbm>>
    %dma_wait3A_242 = tpu.memref_squeeze %dma_wait3A_241 : memref<1x200x64xf32, #tpu.memory_space<hbm>> -> memref<200x64xf32, #tpu.memory_space<hbm>>
    %dma_wait3A_243 = arith.constant 0 : i32
    %dma_wait3A_244 = arith.constant 0 : i32
    %dma_wait3A_245 = tpu.memref_slice %arg4[%mul3A_4, %dma_wait3A_243, %dma_wait3A_244] : memref<4096x200x64xf32, #tpu.memory_space<hbm>> -> memref<1x200x64xf32, #tpu.memory_space<hbm>>
    %dma_wait3A_246 = tpu.memref_squeeze %dma_wait3A_245 : memref<1x200x64xf32, #tpu.memory_space<hbm>> -> memref<200x64xf32, #tpu.memory_space<hbm>>
    tpu.wait_dma2 semaphore(%arg27 : memref<!tpu.dma_semaphore, #tpu.memory_space<semaphore_mem>>) src(%arg11 : memref<200x64xf32, #tpu.memory_space<vmem>>) dst(%dma_wait3A_246 : memref<200x64xf32, #tpu.memory_space<hbm>>)
    %dma_wait3A_247 = arith.constant 0 : i32
    %dma_wait3A_248 = arith.constant 0 : i32
    %dma_wait3A_249 = tpu.memref_slice %arg4[%mul3A_4, %dma_wait3A_247, %dma_wait3A_248] : memref<4096x200x64xf32, #tpu.memory_space<hbm>> -> memref<1x200x64xf32, #tpu.memory_space<hbm>>
    %dma_wait3A_250 = tpu.memref_squeeze %dma_wait3A_249 : memref<1x200x64xf32, #tpu.memory_space<hbm>> -> memref<200x64xf32, #tpu.memory_space<hbm>>
    %dma_wait3A_251 = arith.constant 0 : i32
    %dma_wait3A_252 = arith.constant 0 : i32
    %dma_wait3A_253 = tpu.memref_slice %arg4[%mul3A_4, %dma_wait3A_251, %dma_wait3A_252] : memref<4096x200x64xf32, #tpu.memory_space<hbm>> -> memref<1x200x64xf32, #tpu.memory_space<hbm>>
    %dma_wait3A_254 = tpu.memref_squeeze %dma_wait3A_253 : memref<1x200x64xf32, #tpu.memory_space<hbm>> -> memref<200x64xf32, #tpu.memory_space<hbm>>
    tpu.wait_dma2 semaphore(%arg28 : memref<!tpu.dma_semaphore, #tpu.memory_space<semaphore_mem>>) src(%arg12 : memref<200x64xf32, #tpu.memory_space<vmem>>) dst(%dma_wait3A_254 : memref<200x64xf32, #tpu.memory_space<hbm>>)
    %dma_wait3A_255 = arith.constant 0 : i32
    %dma_wait3A_256 = arith.constant 0 : i32
    %dma_wait3A_257 = tpu.memref_slice %arg4[%mul3A_4, %dma_wait3A_255, %dma_wait3A_256] : memref<4096x200x64xf32, #tpu.memory_space<hbm>> -> memref<1x200x64xf32, #tpu.memory_space<hbm>>
    %dma_wait3A_258 = tpu.memref_squeeze %dma_wait3A_257 : memref<1x200x64xf32, #tpu.memory_space<hbm>> -> memref<200x64xf32, #tpu.memory_space<hbm>>
    %dma_wait3A_259 = arith.constant 0 : i32
    %dma_wait3A_260 = arith.constant 0 : i32
    %dma_wait3A_261 = tpu.memref_slice %arg4[%mul3A_4, %dma_wait3A_259, %dma_wait3A_260] : memref<4096x200x64xf32, #tpu.memory_space<hbm>> -> memref<1x200x64xf32, #tpu.memory_space<hbm>>
    %dma_wait3A_262 = tpu.memref_squeeze %dma_wait3A_261 : memref<1x200x64xf32, #tpu.memory_space<hbm>> -> memref<200x64xf32, #tpu.memory_space<hbm>>
    tpu.wait_dma2 semaphore(%arg29 : memref<!tpu.dma_semaphore, #tpu.memory_space<semaphore_mem>>) src(%arg13 : memref<200x64xf32, #tpu.memory_space<vmem>>) dst(%dma_wait3A_262 : memref<200x64xf32, #tpu.memory_space<hbm>>)
    return
  }
}

</mosaic_0001>

<sc_bundles>
// kernel: _gather_sc.3.cloned.1.call-start
scs
__scs_entry_jumppad:
0x0: {  	(pc) =	sbr.rel $0x88, $3  }
0x1: {  	(tag) =	ssettag $0x0;
	lr =	simm.s32 $0x1  }
0x2: {  	[smem:$0x3F9F] =	sst lr;
	_ =	strace $0xD0000000  }
0x3: {  	_ = 	snop  }
0x4: {  	_ = 	snop  }
0x5: {  	_ = 	snop  }
0x6: {  	_ = 	snop  }
0x7: {  	_ = 	snop  }
__scs_overlays_trampoline_lowered:
0x8: {  	[smem:$0x3FAE] =	sst s0  }
0x9: {  	[smem:$0x3FAF] =	sst s1  }
0xa: {  	[smem:$0x3FB0] =	sst s2  }
0xb: {  	[smem:$0x3FB1] =	sst s3  }
0xc: {  	[smem:$0x3FB2] =	sst s4  }
0xd: {  	[smem:$0x3FB3] =	sst s5  }
0xe: {  	[smem:$0x3FB4] =	sst s6  }
0xf: {  	[smem:$0x3FB5] =	sst s7  }
0x10: {  	[smem:$0x3FB6] =	sst s8  }
0x11: {  	[smem:$0x3FB7] =	sst s9;
	s0 =	simm.s32 @!p0 $0x0  }
0x12: {  	s1 =	sld [smem:$0x3F9D];
	s0 =	simm.s32 @p0 $0x1  }
0x13: {  	[smem:$0x3FB8] =	sst s0;
	s0 =	simm.s32 @!p1 $0x0  }
0x14: {  	s2 =	sld [smem:$0x3F9C];
	s0 =	simm.s32 @p1 $0x1  }
0x15: {  	[smem:$0x3FB9] =	sst s0;
	s0 =	simm.s32 @!p2 $0x0  }
0x16: {  	s3 =	sld [smem:$0x3FDB];
	s0 =	simm.s32 @p2 $0x1  }
0x17: {  	s4 =	simm.s32 $0x1BF5;
	[smem:$0x3FBB] =	sst s0  }
0x18: {  	s0 =	sld [smem:$0x3F9E];
	_ =	swait.ge [sflag:s4], $0x0  }
0x19: {  	s7 =	sld [smem:$0x3F9F]  }
0x1a: {  	s8 =	sadd.s32 $0xFFFFE003, lr  }
0x1b: {  	s9 =	sadd.s32 $0xFFFFFEF7, lr;
	s5 =	simm.s32 $0xFFFFFFFF;
	p2 =	slt.u32 s8, $0xFFFFF086  }
0x1c: {  	p1 =	slt.u32 s9, $0xF7A;
	s5 =	simm.s32 @!p2 $0x0  }
0x1d: {  	s5 =	simm.s32 @p1 $0x1;
	p0 =	seq.s32 s7, s2  }
0x1e: {  	s7 =	smul.u32 @!p0 $0xF7A, s2;
	p2 =	seq.s32 @!p0 s5, $0x0  }
0x1f: {  	s9 =	smul.u32 $0xF7A, s1;
	s8 =	simm.s32 @!p0 $0x1BF5;
	p2 =	por !p2, p0  }
0x20: {  	[sflag:s8] =	ssyncset.s32 @!p0 $0xFFFFF086;
	s6 =	sadd.s32 @!p0 s3, s7;
	s7 =	simm.s32 @!p0 $0x108  }
0x21: {  	s3 =	sadd.s32 s3, s9;
	s6 =	sadd.s32 @!p0 $0x88, s6;
	s7 =	simm.s32 @p2 $0x1082  }
0x22: {  	[simem:s7], [sflag:s8] =	dma.local @!p0 [hbm:s6], $0xF7A  }
0x23: {  	s9 =	sor.u32 $0xD0000000, s2;
	s6 =	simm.s32 $0x108;
	_ =	swait.ge @!p0 [sflag:s8], $0x0  }
0x24: {  	s3 =	sadd.s32 $0x88, s3;
	s6 =	simm.s32 @!p1 $0x1082;
	[sflag:s4] =	ssyncset.s32 $0xFFFFF086  }
0x25: {  	[simem:s6], [sflag:s4] =	dma.local [hbm:s3], $0xF7A  }
0x26: {  	[smem:$0x3F9F] =	sst s1;
	(tag) =	ssettag s2;
	_ =	strace s9  }
0x27: {  	s1 =	sld [smem:$0x3FAF]  }
0x28: {  	s2 =	sld [smem:$0x3FB0]  }
0x29: {  	s4 =	sld [smem:$0x3FB2]  }
0x2a: {  	p0 =	seq.s32 s5, $0x0;
	s5 =	sld [smem:$0x3FB3]  }
0x2b: {  	s6 =	sld [smem:$0x3FB4]  }
0x2c: {  	s7 =	sld [smem:$0x3FB5]  }
0x2d: {  	s3 =	simm.s32 $0x108;
	s8 =	sld [smem:$0x3FB6]  }
0x2e: {  	s3 =	simm.s32 @!p0 $0x1082;
	s9 =	sld [smem:$0x3FB7]  }
0x2f: {  	lr =	sadd.s32 s0, s3;
	s0 =	sld [smem:$0x3FAE]  }
0x30: {  	s3 =	sld [smem:$0x3FB1]  }
0x31: {  	[smem:$0x3FBA] =	sst s10  }
0x32: {  	s10 =	sld [smem:$0x3FB8];
	_ =	sdelay $0x3  }
0x33: {  	p0 =	seq.s32 s10, $0x1;
	s10 =	sld [smem:$0x3FBA];
	_ =	sdelay $0x3  }
0x34: {  	[smem:$0x3FBA] =	sst s10  }
0x35: {  	s10 =	sld [smem:$0x3FB9];
	_ =	sdelay $0x3  }
0x36: {  	p1 =	seq.s32 s10, $0x1;
	s10 =	sld [smem:$0x3FBA];
	_ =	sdelay $0x3  }
0x37: {  	[smem:$0x3FBA] =	sst s10  }
0x38: {  	s10 =	sld [smem:$0x3FBB]  }
0x39: {  	_ = 	snop;
	(pc) =	sbr.ind lr, $3  }
0x3a: {  	_ = 	snop  }
0x3b: {  	_ = 	snop  }
0x3c: {  	p2 =	seq.s32 s10, $0x1;
	s10 =	sld [smem:$0x3FBA]  }
0x3d: {  	_ =	shalt  }
0x3e: {  	_ =	shalt  }
0x3f: {  	_ =	shalt  }
0x40: {  	_ =	shalt  }
0x41: {  	_ =	shalt  }
0x42: {  	_ =	shalt  }
0x43: {  	_ =	shalt  }
0x44: {  	_ =	shalt  }
0x45: {  	_ =	shalt  }
0x46: {  	_ =	shalt  }
0x47: {  	_ =	shalt  }
0x48: {  	_ =	shalt  }
0x49: {  	_ =	shalt  }
0x4a: {  	_ =	shalt  }
0x4b: {  	_ =	shalt  }
0x4c: {  	_ =	shalt  }
0x4d: {  	_ =	shalt  }
0x4e: {  	_ =	shalt  }
0x4f: {  	_ =	shalt  }
0x50: {  	_ =	shalt  }
0x51: {  	_ =	shalt  }
0x52: {  	_ =	shalt  }
0x53: {  	_ =	shalt  }
0x54: {  	_ =	shalt  }
0x55: {  	_ =	shalt  }
0x56: {  	_ =	shalt  }
0x57: {  	_ =	shalt  }
0x58: {  	_ =	shalt  }
0x59: {  	_ =	shalt  }
0x5a: {  	_ =	shalt  }
0x5b: {  	_ =	shalt  }
0x5c: {  	_ =	shalt  }
0x5d: {  	_ =	shalt  }
0x5e: {  	_ =	shalt  }
0x5f: {  	_ =	shalt  }
0x60: {  	_ =	shalt  }
0x61: {  	_ =	shalt  }
0x62: {  	_ =	shalt  }
0x63: {  	_ =	shalt  }
0x64: {  	_ =	shalt  }
0x65: {  	_ =	shalt  }
0x66: {  	_ =	shalt  }
0x67: {  	_ =	shalt  }
0x68: {  	_ =	shalt  }
0x69: {  	_ =	shalt  }
0x6a: {  	_ =	shalt  }
0x6b: {  	_ =	shalt  }
0x6c: {  	_ =	shalt  }
0x6d: {  	_ =	shalt  }
0x6e: {  	_ =	shalt  }
0x6f: {  	_ =	shalt  }
0x70: {  	_ =	shalt  }
0x71: {  	_ =	shalt  }
0x72: {  	_ =	shalt  }
0x73: {  	_ =	shalt  }
0x74: {  	_ =	shalt  }
0x75: {  	_ =	shalt  }
0x76: {  	_ =	shalt  }
0x77: {  	_ =	shalt  }
0x78: {  	_ =	shalt  }
0x79: {  	_ =	shalt  }
0x7a: {  	_ =	shalt  }
0x7b: {  	_ =	shalt  }
0x7c: {  	_ =	shalt  }
0x7d: {  	_ =	shalt  }
0x7e: {  	_ =	shalt  }
0x7f: {  	_ =	shalt  }
0x80: {  	_ =	shalt  }
0x81: {  	_ =	shalt  }
0x82: {  	_ =	shalt  }
0x83: {  	_ =	shalt  }
0x84: {  	_ =	shalt  }
0x85: {  	_ =	shalt  }
0x86: {  	_ =	shalt  }
0x87: {  	_ =	shalt  }
.Lfunc_end0:
.L_simem_size_0:
called_computation.1_lowered:
.L_overlay_start_0:
0x88: {  	s2 =	sld [smem:$0x3FD9]  }
0x89: {  	s3 =	sld [smem:$0x3FFE];
	_ =	sdelay $0x1  }
0x8a: {  	s1 =	srdreg.scid  }
0x8b: {  	s0 =	sand.u32 $0x1, s1  }
0x8c: {  	s17 =	sshll.u32 s0, $0xA;
	s2 =	sadd.s32 s3, s2  }
0x8d: {  	s2 =	sadd.s32 s2, s17  }
0x8e: {  	[smem:$0x3FC6] =	sst s2  }
0x8f: {  	_ = 	snop  }
0x90: {  	s2 =	sld [smem:$0x3FC9]  }
0x91: {  	s18 =	sld [smem:$0x3FD0];
	(tm) =	ssettm $0x1  }
0x92: {  	s4 =	sld [smem:$0x3FFB];
	_ =	sdelay $0x3  }
0x93: {  	_ =	strace s4  }
0x94: {  	s4 =	sld [smem:$0x3FFC];
	_ =	sdelay $0x3  }
0x95: {  	_ =	strace s4  }
0x96: {  	s4 =	sld [smem:$0x3FFD];
	_ =	sdelay $0x3  }
0x97: {  	_ =	strace s4  }
0x98: {  	_ =	strace $0x8FFFFFFF  }
0x99: {  	s19 =	sld [smem:$0x3FDB];
	_ =	sdelay $0x1  }
0x9a: {  	s5 =	simm.s32 $_scs_section_size  }
0x9b: {  	s6 =	simm.s32 $_size__tile_overlayer_lowered;
	s7 =	simm.s32 $_tile_overlayer_lowered  }
0x9c: {  	s22 =	simm.s32 $0x1BFF;
	s21 =	sshll.u32 s7, $0x1;
	s4 =	sadd.s32 s5, s19  }
0x9d: {  	s8 =	simm.s32 $0x0;
	s20 =	sshll.u32 s6, $0x1;
	s6 =	sadd.s32 s21, s4  }
0x9e: {  	[timem:s8], [sflag:s22] =	dma.local [hbm:s6], s20  }
0x9f: {  	_ =	swait.ge [sflag:s22], s20  }
0xa0: {  	s5 =	ssub.s32 $0x0, s20;
	[sflag:s22] =	ssyncset.done $0x0  }
0xa1: {  	[sflag:s22] =	ssyncadd.s32 s5;
	_ =	sdelay $0x1  }
0xa2: {  	s23 =	simm.s32 $0x1B8B  }
0xa3: {  	_ =	swait.ge [sflag:s23], $0x1  }
0xa4: {  	[sflag:s23] =	ssyncset.done $0x0  }
0xa5: {  	s25 =	simm.s32 $0x1B8E;
	s24 =	sld [smem:$0x3FFE];
	[sflag:s23] =	ssyncadd.s32 $0xFFFFFFFF  }
0xa6: {  	s26 =	simm.s32 $execute0_lowered;
	[smem:$0x3FD2] =	sst s25  }
0xa7: {  	s6 =	sshll.u32 s26, $0x1;
	_ =	strace $0x80000046;
	[dreg:$0x1] =	wrdreg $0xFFFFFFFF  }
0xa8: {  	s28 =	simm.s32 $_size_execute0_lowered;
	s4 =	sadd.s32 s4, s6;
	[dreg:$0x0] =	wrdreg $0x0  }
0xa9: {  	s6 =	sshll.u32 s28, $0x1;
	[dreg:$0x2] =	wrdreg s4  }
0xaa: {  	[dreg:$0x3] =	wrdreg s6  }
0xab: {  	[dreg:$0x4] =	wrdreg $0xC0  }
0xac: {  	_ =	task [dreg:s8], $0x5FFFF  }
0xad: {  	[dreg:$0x1] =	wrdreg $0xFFFFFFFF  }
0xae: {  	[dreg:$0x0] =	wrdreg $0x60  }
0xaf: {  	[dreg:$0x2] =	wrdreg s2  }
0xb0: {  	[dreg:$0x3] =	wrdreg s24  }
0xb1: {  	[dreg:$0x4] =	wrdreg s18  }
0xb2: {  	[dreg:$0x5] =	wrdreg $0x9  }
0xb3: {  	_ =	task.clear_ibuf [dreg:s8], $0x6FFFF;
	_ =	strace $0x90000046  }
0xb4: {  	s29 =	simm.s32 $0x9;
	_ =	strace $0x80000048  }
0xb5: {  	_ =	swait.ge [sflag:s29], $0x1  }
0xb6: {  	[sflag:s29] =	ssyncadd.s32 $0xFFFFFFFF  }
0xb7: {  	_ =	strace $0x90000048  }
0xb8: {  	_ =	sfence  }
0xb9: {  	s30 =	sld [smem:$0x0];
	_ =	sdelay $0x2  }
0xba: {  	s31 =	sshll.u32 s1, $0xD;
	s1 =	sshrl.u32 s1, $0x2  }
0xbb: {  	s3 =	sand.u32 $0x4000, s31;
	s1 =	sadd.s32 s1, s30  }
0xbc: {  	s0 =	sor.u32 s3, s0;
	s1 =	sshll.u32 s1, $0x11  }
0xbd: {  	s0 =	sor.u32 s1, s0  }
0xbe: {  	s0 =	sadd.s32 $0x8F2B, s0  }
0xbf: {  	[sflag:s0] =	ssyncadd.remote.s32 $0x1  }
0xc0: {  	_ =	sfence.sel $0xFFFF  }
0xc1: {  	[dreg:$0x0] =	wrdreg $0xFFFFFFFF;
	(pc) =	sbr.abs _section_cstart, $3  }
0xc2: {  	[dreg:$0x1] =	wrdreg $0xFFFFFFFF  }
0xc3: {  	_ =	task.clear_ibuf [dreg:s8], $0x2FFFF;
	_ =	strace $0x9FFFFFFF  }
0xc4: {  	(tm) =	ssettm $0x7FFFFFFF  }
0xc5: {  	_ =	shalt  }
tec
execute0_lowered:
.L_overlay_start_1:
0x0: {  	(tag) =	ssettag $0x1  }
0x1: {  	s0 =	rddreg [dreg:$0x0]  }
0x2: {  	s1 =	rddreg [dreg:$0x1];
	s2 =	srdreg.scid  }
0x3: {  	s9 =	stileid.u32;
	s4 =	rddreg [dreg:$0x2]  }
0x4: {  	s16 =	simm.s32 $0xC8;
	s28 =	simm.s32 $0x19000;
	s29 =	simm.s32 $0x3  }
0x5: {  	s30 =	simm.s32 $0x1C200;
	s31 =	simm.s32 $0x4;
	s5 =	sand.u32 $0x1, s2  }
0x6: {  	s3 =	sshll.u32 s9, $0x1;
	s2 =	simm.s32 $0x0;
	s21 =	smul.u32 $0x64000, s9  }
0x7: {  	s3 =	sor.u32 s5, s3;
	s7 =	ssub.s32 $0x2, s5;
	s5 =	smul.u32 $0x32000, s5  }
0x8: {  	s9 =	simm.s32 $0x0;
	[smem:$0x7FF] =	sst s2;
	s6 =	smul.u32 $0x190000, s3  }
0x9: {  	_ =	strace $0x80000047;
	s8 =	smul.u32 $0xC80, s3;
	s17 =	sshrl.u32 s7, $0x1  }
0xa: {  	s3 =	sadd.s32 $0xF42C00, s1;
	s1 =	ssub.s32 s7, s17;
	s17 =	simm.s32 $0x6400  }
0xb: {  	s7 =	simm.s32 $0x8;
	s6 =	sshrl.u32 s6, $0x3;
	s0 =	sadd.s32 s0, s8  }
0xc: {  	s1 =	smax.u32 s1, $0x1;
	s6 =	sadd.s32 s4, s6;
	[dreg:$0x4] =	wrdreg s0  }
0xd: {  	s0 =	sadd.s32 s21, s4;
	[dreg:$0xd] =	wrdreg s1;
	s18 =	sadd.s32 $0x2EE00, s6  }
0xe: {  	s1 =	simm.s32 $0x9;
	s19 =	sadd.s32 $0x2F440, s6;
	[dreg:$0x5] =	wrdreg s18  }
0xf: {  	s21 =	simm.s32 $0x6;
	s20 =	sadd.s32 $0x2FA80, s6;
	[dreg:$0x6] =	wrdreg s19  }
0x10: {  	s4 =	simm.s32 $0xB;
	s22 =	sadd.s32 $0x300C0, s6;
	[dreg:$0x7] =	wrdreg s20  }
0x11: {  	s23 =	sadd.s32 $0x30700, s6;
	s24 =	sadd.s32 $0x30D40, s6;
	[dreg:$0x8] =	wrdreg s22  }
0x12: {  	s25 =	sadd.s32 $0x31380, s6;
	s26 =	sadd.s32 $0x319C0, s6;
	[dreg:$0x9] =	wrdreg s23  }
0x13: {  	s14 =	sadd.s32 s5, s0;
	s0 =	simm.s32 $0x5;
	[dreg:$0xa] =	wrdreg s24  }
0x14: {  	s5 =	simm.s32 $0x7;
	s6 =	simm.s32 $0xC;
	[dreg:$0xb] =	wrdreg s25  }
0x15: {  	[dreg:$0xc] =	wrdreg s26;
	s18 =	simm.s32 $0x9600;
	s20 =	simm.s32 $0xC800  }
0x16: {  	s22 =	simm.s32 $0xFA00;
	s23 =	simm.s32 $0x12C00;
	s24 =	simm.s32 $0x1  }
0x17: {  	s25 =	simm.s32 $0x15E00;
	s26 =	simm.s32 $0x2;
	s19 =	simm.s32 $0xA  }
.LBB2_1:
0x18: {  	[dreg:$0xe] =	wrdreg s9  }
0x19: {  	s8 =	rddreg [dreg:$0x4];
	s9 =	simm.s32 $0x11  }
0x1a: {  	[tilespmem:s2], [sflag:$0x11] =	stream.linear.gather [hbm4b:s8+s2], $0x6400, $0x38;
	[tilespmem:$0x1F400] =	vst v63  }
0x1b: {  	_ =	swait.ge [sflag:s9], $0x6400  }
0x1c: {  	[sflag:s9] =	ssyncset.done $0x0  }
0x1d: {  	[sflag:s9] =	ssyncadd.s32 $0xFFFF9C00  }
0x1e: {  	[tilespmem:s17], [sflag:$0x1] =	stream.indirect.gather [hbm4b:s3+s16], $0x40, s2, s16, $0xb8;
	[tilespmem:$0x1F400] =	vst v63  }
0x1f: {  	_ = 	snop  }
0x20: {  	[tilespmem:s18], [sflag:$0x2] =	stream.indirect.gather [hbm4b:s3+s16], $0x40, s16, s16, $0xb8;
	[tilespmem:$0x1F400] =	vst v63  }
0x21: {  	s10 =	simm.s32 $0x190;
	p0 =	por $0x1, $0x1  }
0x22: {  	[tilespmem:s20], [sflag:$0x3] =	stream.indirect.gather [hbm4b:s3+s16], $0x40, s10, s16, $0xb8;
	[tilespmem:$0x1F400] =	vst v63  }
0x23: {  	s11 =	simm.s32 $0x258;
	s8 =	simm.s32 @!p0 $0xD  }
0x24: {  	[tilespmem:s22], [sflag:$0x4] =	stream.indirect.gather [hbm4b:s3+s16], $0x40, s11, s16, $0xb8;
	[tilespmem:$0x1F400] =	vst v63  }
0x25: {  	_ =	swait.ge @!p0 [sflag:s8], $0x3200  }
0x26: {  	[sflag:s8] =	ssyncset.done @!p0 $0x0  }
0x27: {  	s12 =	simm.s32 $0x320;
	[sflag:s8] =	ssyncadd.s32 @!p0 $0xFFFFCE00  }
0x28: {  	[tilespmem:s23], [sflag:$0x5] =	stream.indirect.gather [hbm4b:s3+s16], $0x40, s12, s16, $0xb8;
	[tilespmem:$0x1F400] =	vst v63  }
0x29: {  	_ =	swait.ge [sflag:s24], $0x3200  }
0x2a: {  	[sflag:s24] =	ssyncset.done $0x0  }
0x2b: {  	s8 =	simm.s32 @!p0 $0xE;
	[sflag:s24] =	ssyncadd.s32 $0xFFFFCE00  }
0x2c: {  	[hbm4b:s14+s2] =	stream.linear.scatter [tilespmem:s17], [sflag:$0x9], $0x3200, $0x38;
	[tilespmem:$0x1F400] =	vst v63  }
0x2d: {  	_ =	swait.ge @!p0 [sflag:s8], $0x3200  }
0x2e: {  	[sflag:s8] =	ssyncset.done @!p0 $0x0  }
0x2f: {  	s13 =	simm.s32 $0x3E8;
	[sflag:s8] =	ssyncadd.s32 @!p0 $0xFFFFCE00  }
0x30: {  	[tilespmem:s25], [sflag:$0x6] =	stream.indirect.gather [hbm4b:s3+s16], $0x40, s13, s16, $0xb8;
	[tilespmem:$0x1F400] =	vst v63  }
0x31: {  	_ =	swait.ge [sflag:s26], $0x3200  }
0x32: {  	[sflag:s26] =	ssyncset.done $0x0  }
0x33: {  	s15 =	sadd.s32 $0x640, s14;
	s9 =	simm.s32 @!p0 $0xF;
	[sflag:s26] =	ssyncadd.s32 $0xFFFFCE00  }
0x34: {  	[hbm4b:s15+s2] =	stream.linear.scatter [tilespmem:s18], [sflag:$0xA], $0x3200, $0x38;
	[tilespmem:$0x1F400] =	vst v63  }
0x35: {  	_ =	swait.ge @!p0 [sflag:s9], $0x3200  }
0x36: {  	[sflag:s9] =	ssyncset.done @!p0 $0x0  }
0x37: {  	[sflag:s9] =	ssyncadd.s32 @!p0 $0xFFFFCE00;
	s9 =	simm.s32 $0x4B0  }
0x38: {  	[tilespmem:s28], [sflag:$0x7] =	stream.indirect.gather [hbm4b:s3+s16], $0x40, s9, s16, $0xb8;
	[tilespmem:$0x1F400] =	vst v63  }
0x39: {  	_ =	swait.ge [sflag:s29], $0x3200  }
0x3a: {  	[sflag:s29] =	ssyncset.done $0x0  }
0x3b: {  	s10 =	sadd.s32 $0xC80, s14;
	s9 =	simm.s32 @!p0 $0x10;
	[sflag:s29] =	ssyncadd.s32 $0xFFFFCE00  }
0x3c: {  	[hbm4b:s10+s2] =	stream.linear.scatter [tilespmem:s20], [sflag:$0xB], $0x3200, $0x38;
	[tilespmem:$0x1F400] =	vst v63  }
0x3d: {  	_ =	swait.ge @!p0 [sflag:s9], $0x3200  }
0x3e: {  	[sflag:s9] =	ssyncset.done @!p0 $0x0  }
0x3f: {  	s11 =	simm.s32 $0x578;
	[sflag:s9] =	ssyncadd.s32 @!p0 $0xFFFFCE00  }
0x40: {  	[tilespmem:s30], [sflag:$0x8] =	stream.indirect.gather [hbm4b:s3+s16], $0x40, s11, s16, $0xb8;
	[tilespmem:$0x1F400] =	vst v63  }
0x41: {  	_ =	swait.ge [sflag:s31], $0x3200  }
0x42: {  	[sflag:s31] =	ssyncset.done $0x0  }
0x43: {  	s12 =	sadd.s32 $0x12C0, s14;
	[sflag:s31] =	ssyncadd.s32 $0xFFFFCE00  }
0x44: {  	[hbm4b:s12+s2] =	stream.linear.scatter [tilespmem:s22], [sflag:$0xC], $0x3200, $0x38;
	[tilespmem:$0x1F400] =	vst v63  }
0x45: {  	_ =	swait.ge [sflag:s1], $0x3200  }
0x46: {  	[sflag:s1] =	ssyncset.done $0x0  }
0x47: {  	s13 =	simm.s32 $0x640;
	[sflag:s1] =	ssyncadd.s32 $0xFFFFCE00  }
0x48: {  	[tilespmem:s17], [sflag:$0x1] =	stream.indirect.gather [hbm4b:s3+s16], $0x40, s13, s16, $0xb8;
	[tilespmem:$0x1F400] =	vst v63  }
0x49: {  	_ =	swait.ge [sflag:s0], $0x3200  }
0x4a: {  	[sflag:s0] =	ssyncset.done $0x0  }
0x4b: {  	s15 =	sadd.s32 $0x1900, s14;
	[sflag:s0] =	ssyncadd.s32 $0xFFFFCE00  }
0x4c: {  	[hbm4b:s15+s2] =	stream.linear.scatter [tilespmem:s23], [sflag:$0xD], $0x3200, $0x38;
	[tilespmem:$0x1F400] =	vst v63  }
0x4d: {  	_ =	swait.ge [sflag:s19], $0x3200  }
0x4e: {  	[sflag:s19] =	ssyncset.done $0x0  }
0x4f: {  	s9 =	simm.s32 $0x708;
	[sflag:s19] =	ssyncadd.s32 $0xFFFFCE00  }
0x50: {  	[tilespmem:s18], [sflag:$0x2] =	stream.indirect.gather [hbm4b:s3+s16], $0x40, s9, s16, $0xb8;
	[tilespmem:$0x1F400] =	vst v63  }
0x51: {  	_ =	swait.ge [sflag:s21], $0x3200  }
0x52: {  	[sflag:s21] =	ssyncset.done $0x0  }
0x53: {  	s10 =	sadd.s32 $0x1F40, s14;
	[sflag:s21] =	ssyncadd.s32 $0xFFFFCE00  }
0x54: {  	[hbm4b:s10+s2] =	stream.linear.scatter [tilespmem:s25], [sflag:$0xE], $0x3200, $0x38;
	[tilespmem:$0x1F400] =	vst v63  }
0x55: {  	_ =	swait.ge [sflag:s4], $0x3200  }
0x56: {  	[sflag:s4] =	ssyncset.done $0x0  }
0x57: {  	s11 =	simm.s32 $0x7D0;
	[sflag:s4] =	ssyncadd.s32 $0xFFFFCE00  }
0x58: {  	[tilespmem:s20], [sflag:$0x3] =	stream.indirect.gather [hbm4b:s3+s16], $0x40, s11, s16, $0xb8;
	[tilespmem:$0x1F400] =	vst v63  }
0x59: {  	_ =	swait.ge [sflag:s5], $0x3200  }
0x5a: {  	[sflag:s5] =	ssyncset.done $0x0  }
0x5b: {  	s12 =	sadd.s32 $0x2580, s14;
	[sflag:s5] =	ssyncadd.s32 $0xFFFFCE00  }
0x5c: {  	[hbm4b:s12+s2] =	stream.linear.scatter [tilespmem:s28], [sflag:$0xF], $0x3200, $0x38;
	[tilespmem:$0x1F400] =	vst v63  }
0x5d: {  	_ =	swait.ge [sflag:s6], $0x3200  }
0x5e: {  	[sflag:s6] =	ssyncset.done $0x0  }
0x5f: {  	p1 =	por $0x0, $0x0;
	s13 =	simm.s32 $0x898;
	[sflag:s6] =	ssyncadd.s32 $0xFFFFCE00  }
0x60: {  	[tilespmem:s22], [sflag:$0x4] =	stream.indirect.gather [hbm4b:s3+s16], $0x40, s13, s16, $0xb8;
	[tilespmem:$0x1F400] =	vst v63  }
0x61: {  	s8 =	simm.s32 $0x3200;
	s15 =	simm.s32 $0x1900;
	_ =	swait.ge [sflag:s7], $0x3200  }
0x62: {  	s10 =	sadd.s32 $0x2BC0, s14;
	s13 =	sadd.s32 $0x3200, s14;
	[sflag:s7] =	ssyncset.done $0x0  }
.LBB2_2:
0x63: {  	s11 =	simm.s32 @!p1 $0xD;
	[sflag:s7] =	ssyncadd.s32 $0xFFFFCE00  }
0x64: {  	s12 =	smov.u32 s8;
	s8 =	sadd.s32 $0x1900, s8;
	s9 =	smov.u32 s13  }
0x65: {  	[hbm4b:s10+s2] =	stream.linear.scatter [tilespmem:s30], [sflag:$0x10], $0x3200, $0x38;
	[tilespmem:$0x1F400] =	vst v63  }
0x66: {  	p0 =	sne.s32 s8, $0x17700;
	_ =	swait.ge @!p1 [sflag:s11], $0x3200  }
0x67: {  	s10 =	sshra.s32 s15, $0x2;
	s15 =	smov.u32 s12;
	[sflag:s11] =	ssyncset.done @!p1 $0x0  }
0x68: {  	[sflag:s11] =	ssyncadd.s32 @!p1 $0xFFFFCE00;
	s11 =	sadd.s32 $0x320, s10  }
0x69: {  	[tilespmem:s23], [sflag:$0x5] =	stream.indirect.gather [hbm4b:s3+s16], $0x40, s11, s16, $0xb8;
	[tilespmem:$0x1F400] =	vst v63  }
0x6a: {  	_ =	swait.ge [sflag:s24], $0x3200  }
0x6b: {  	[sflag:s24] =	ssyncset.done $0x0  }
0x6c: {  	s11 =	simm.s32 @!p1 $0xE;
	[sflag:s24] =	ssyncadd.s32 $0xFFFFCE00  }
0x6d: {  	[hbm4b:s13+s2] =	stream.linear.scatter [tilespmem:s17], [sflag:$0x9], $0x3200, $0x38;
	[tilespmem:$0x1F400] =	vst v63  }
0x6e: {  	_ =	swait.ge @!p1 [sflag:s11], $0x3200  }
0x6f: {  	[sflag:s11] =	ssyncset.done @!p1 $0x0  }
0x70: {  	[sflag:s11] =	ssyncadd.s32 @!p1 $0xFFFFCE00;
	s11 =	sadd.s32 $0x3E8, s10  }
0x71: {  	[tilespmem:s25], [sflag:$0x6] =	stream.indirect.gather [hbm4b:s3+s16], $0x40, s11, s16, $0xb8;
	[tilespmem:$0x1F400] =	vst v63  }
0x72: {  	_ =	swait.ge [sflag:s26], $0x3200  }
0x73: {  	[sflag:s26] =	ssyncset.done $0x0  }
0x74: {  	s12 =	simm.s32 @!p1 $0xF;
	s11 =	sadd.s32 $0x640, s13;
	[sflag:s26] =	ssyncadd.s32 $0xFFFFCE00  }
0x75: {  	[hbm4b:s11+s2] =	stream.linear.scatter [tilespmem:s18], [sflag:$0xA], $0x3200, $0x38;
	[tilespmem:$0x1F400] =	vst v63  }
0x76: {  	_ =	swait.ge @!p1 [sflag:s12], $0x3200  }
0x77: {  	[sflag:s12] =	ssyncset.done @!p1 $0x0  }
0x78: {  	s11 =	sadd.s32 $0x4B0, s10;
	[sflag:s12] =	ssyncadd.s32 @!p1 $0xFFFFCE00  }
0x79: {  	[tilespmem:s28], [sflag:$0x7] =	stream.indirect.gather [hbm4b:s3+s16], $0x40, s11, s16, $0xb8;
	[tilespmem:$0x1F400] =	vst v63  }
0x7a: {  	_ =	swait.ge [sflag:s29], $0x3200  }
0x7b: {  	[sflag:s29] =	ssyncset.done $0x0  }
0x7c: {  	s12 =	simm.s32 @!p1 $0x10;
	s11 =	sadd.s32 $0xC80, s13;
	[sflag:s29] =	ssyncadd.s32 $0xFFFFCE00  }
0x7d: {  	[hbm4b:s11+s2] =	stream.linear.scatter [tilespmem:s20], [sflag:$0xB], $0x3200, $0x38;
	[tilespmem:$0x1F400] =	vst v63  }
0x7e: {  	_ =	swait.ge @!p1 [sflag:s12], $0x3200  }
0x7f: {  	[sflag:s12] =	ssyncset.done @!p1 $0x0  }
0x80: {  	s11 =	sadd.s32 $0x578, s10;
	[sflag:s12] =	ssyncadd.s32 @!p1 $0xFFFFCE00  }
0x81: {  	[tilespmem:s30], [sflag:$0x8] =	stream.indirect.gather [hbm4b:s3+s16], $0x40, s11, s16, $0xb8;
	[tilespmem:$0x1F400] =	vst v63  }
0x82: {  	_ =	swait.ge [sflag:s31], $0x3200  }
0x83: {  	[sflag:s31] =	ssyncset.done $0x0  }
0x84: {  	s11 =	sadd.s32 $0x12C0, s13;
	[sflag:s31] =	ssyncadd.s32 $0xFFFFCE00  }
0x85: {  	[hbm4b:s11+s2] =	stream.linear.scatter [tilespmem:s22], [sflag:$0xC], $0x3200, $0x38;
	[tilespmem:$0x1F400] =	vst v63  }
0x86: {  	_ =	swait.ge [sflag:s1], $0x3200  }
0x87: {  	[sflag:s1] =	ssyncset.done $0x0  }
0x88: {  	s11 =	sadd.s32 $0x640, s10;
	[sflag:s1] =	ssyncadd.s32 $0xFFFFCE00  }
0x89: {  	[tilespmem:s17], [sflag:$0x1] =	stream.indirect.gather [hbm4b:s3+s16], $0x40, s11, s16, $0xb8;
	[tilespmem:$0x1F400] =	vst v63  }
0x8a: {  	_ =	swait.ge [sflag:s0], $0x3200  }
0x8b: {  	[sflag:s0] =	ssyncset.done $0x0  }
0x8c: {  	s11 =	sadd.s32 $0x1900, s13;
	[sflag:s0] =	ssyncadd.s32 $0xFFFFCE00  }
0x8d: {  	[hbm4b:s11+s2] =	stream.linear.scatter [tilespmem:s23], [sflag:$0xD], $0x3200, $0x38;
	[tilespmem:$0x1F400] =	vst v63  }
0x8e: {  	_ =	swait.ge [sflag:s19], $0x3200  }
0x8f: {  	[sflag:s19] =	ssyncset.done $0x0  }
0x90: {  	s11 =	sadd.s32 $0x708, s10;
	[sflag:s19] =	ssyncadd.s32 $0xFFFFCE00  }
0x91: {  	[tilespmem:s18], [sflag:$0x2] =	stream.indirect.gather [hbm4b:s3+s16], $0x40, s11, s16, $0xb8;
	[tilespmem:$0x1F400] =	vst v63  }
0x92: {  	_ =	swait.ge [sflag:s21], $0x3200  }
0x93: {  	[sflag:s21] =	ssyncset.done $0x0  }
0x94: {  	s11 =	sadd.s32 $0x1F40, s13;
	[sflag:s21] =	ssyncadd.s32 $0xFFFFCE00  }
0x95: {  	[hbm4b:s11+s2] =	stream.linear.scatter [tilespmem:s25], [sflag:$0xE], $0x3200, $0x38;
	[tilespmem:$0x1F400] =	vst v63  }
0x96: {  	_ =	swait.ge [sflag:s4], $0x3200  }
0x97: {  	[sflag:s4] =	ssyncset.done $0x0  }
0x98: {  	s11 =	sadd.s32 $0x7D0, s10;
	[sflag:s4] =	ssyncadd.s32 $0xFFFFCE00  }
0x99: {  	[tilespmem:s20], [sflag:$0x3] =	stream.indirect.gather [hbm4b:s3+s16], $0x40, s11, s16, $0xb8;
	[tilespmem:$0x1F400] =	vst v63  }
0x9a: {  	_ =	swait.ge [sflag:s5], $0x3200  }
0x9b: {  	[sflag:s5] =	ssyncset.done $0x0  }
0x9c: {  	s11 =	sadd.s32 $0x2580, s13;
	[sflag:s5] =	ssyncadd.s32 $0xFFFFCE00  }
0x9d: {  	[hbm4b:s11+s2] =	stream.linear.scatter [tilespmem:s28], [sflag:$0xF], $0x3200, $0x38;
	[tilespmem:$0x1F400] =	vst v63  }
0x9e: {  	_ =	swait.ge [sflag:s6], $0x3200  }
.Ltmp0:
0x9f: {  	[sflag:s6] =	ssyncset.done $0x0;
	(pc) =	sbr.rel @p0 .LBB2_2-.Ltmp0, $4  }
0xa0: {  	s10 =	sadd.s32 $0x898, s10;
	[sflag:s6] =	ssyncadd.s32 $0xFFFFCE00  }
0xa1: {  	[tilespmem:s22], [sflag:$0x4] =	stream.indirect.gather [hbm4b:s3+s16], $0x40, s10, s16, $0xb8;
	[tilespmem:$0x1F400] =	vst v63  }
0xa2: {  	s13 =	sadd.s32 $0x3200, s13;
	_ =	swait.ge [sflag:s7], $0x3200  }
0xa3: {  	p1 =	seq.s32 s15, $0x0;
	s10 =	sadd.s32 $0x2BC0, s9;
	[sflag:s7] =	ssyncset.done $0x0  }
0xa4: {  	[sflag:s7] =	ssyncadd.s32 $0xFFFFCE00;
	s9 =	simm.s32 @!p1 $0xD  }
0xa5: {  	[hbm4b:s10+s2] =	stream.linear.scatter [tilespmem:s30], [sflag:$0x10], $0x3200, $0x38;
	[tilespmem:$0x1F400] =	vst v63  }
0xa6: {  	_ =	swait.ge @!p1 [sflag:s9], $0x3200  }
0xa7: {  	s8 =	sshra.s32 s15, $0x2;
	[sflag:s9] =	ssyncset.done @!p1 $0x0  }
0xa8: {  	s15 =	sadd.s32 $0x320, s8;
	[sflag:s9] =	ssyncadd.s32 @!p1 $0xFFFFCE00  }
0xa9: {  	[tilespmem:s23], [sflag:$0x5] =	stream.indirect.gather [hbm4b:s3+s16], $0x40, s15, s16, $0xb8;
	[tilespmem:$0x1F400] =	vst v63  }
0xaa: {  	_ =	swait.ge [sflag:s24], $0x3200  }
0xab: {  	[sflag:s24] =	ssyncset.done $0x0  }
0xac: {  	s9 =	simm.s32 @!p1 $0xE;
	[sflag:s24] =	ssyncadd.s32 $0xFFFFCE00  }
0xad: {  	[hbm4b:s13+s2] =	stream.linear.scatter [tilespmem:s17], [sflag:$0x9], $0x3200, $0x38;
	[tilespmem:$0x1F400] =	vst v63  }
0xae: {  	_ =	swait.ge @!p1 [sflag:s9], $0x3200  }
0xaf: {  	[sflag:s9] =	ssyncset.done @!p1 $0x0  }
0xb0: {  	s10 =	sadd.s32 $0x3E8, s8;
	[sflag:s9] =	ssyncadd.s32 @!p1 $0xFFFFCE00  }
0xb1: {  	[tilespmem:s25], [sflag:$0x6] =	stream.indirect.gather [hbm4b:s3+s16], $0x40, s10, s16, $0xb8;
	[tilespmem:$0x1F400] =	vst v63  }
0xb2: {  	_ =	swait.ge [sflag:s26], $0x3200  }
0xb3: {  	[sflag:s26] =	ssyncset.done $0x0  }
0xb4: {  	s11 =	sadd.s32 $0x640, s13;
	s9 =	simm.s32 @!p1 $0xF;
	[sflag:s26] =	ssyncadd.s32 $0xFFFFCE00  }
0xb5: {  	[hbm4b:s11+s2] =	stream.linear.scatter [tilespmem:s18], [sflag:$0xA], $0x3200, $0x38;
	[tilespmem:$0x1F400] =	vst v63  }
0xb6: {  	_ =	swait.ge @!p1 [sflag:s9], $0x3200  }
0xb7: {  	[sflag:s9] =	ssyncset.done @!p1 $0x0  }
0xb8: {  	s12 =	sadd.s32 $0x4B0, s8;
	[sflag:s9] =	ssyncadd.s32 @!p1 $0xFFFFCE00  }
0xb9: {  	[tilespmem:s28], [sflag:$0x7] =	stream.indirect.gather [hbm4b:s3+s16], $0x40, s12, s16, $0xb8;
	[tilespmem:$0x1F400] =	vst v63  }
0xba: {  	_ =	swait.ge [sflag:s29], $0x3200  }
0xbb: {  	[sflag:s29] =	ssyncset.done $0x0  }
0xbc: {  	s15 =	sadd.s32 $0xC80, s13;
	s9 =	simm.s32 @!p1 $0x10;
	[sflag:s29] =	ssyncadd.s32 $0xFFFFCE00  }
0xbd: {  	[hbm4b:s15+s2] =	stream.linear.scatter [tilespmem:s20], [sflag:$0xB], $0x3200, $0x38;
	[tilespmem:$0x1F400] =	vst v63  }
0xbe: {  	_ =	swait.ge @!p1 [sflag:s9], $0x3200  }
0xbf: {  	[sflag:s9] =	ssyncset.done @!p1 $0x0  }
0xc0: {  	s10 =	sadd.s32 $0x578, s8;
	[sflag:s9] =	ssyncadd.s32 @!p1 $0xFFFFCE00  }
0xc1: {  	[tilespmem:s30], [sflag:$0x8] =	stream.indirect.gather [hbm4b:s3+s16], $0x40, s10, s16, $0xb8;
	[tilespmem:$0x1F400] =	vst v63  }
0xc2: {  	_ =	swait.ge [sflag:s31], $0x3200  }
0xc3: {  	[sflag:s31] =	ssyncset.done $0x0  }
0xc4: {  	s11 =	sadd.s32 $0x12C0, s13;
	[sflag:s31] =	ssyncadd.s32 $0xFFFFCE00  }
0xc5: {  	[hbm4b:s11+s2] =	stream.linear.scatter [tilespmem:s22], [sflag:$0xC], $0x3200, $0x38;
	[tilespmem:$0x1F400] =	vst v63  }
0xc6: {  	_ =	swait.ge [sflag:s1], $0x3200  }
0xc7: {  	[sflag:s1] =	ssyncset.done $0x0  }
0xc8: {  	s12 =	sadd.s32 $0x640, s8;
	[sflag:s1] =	ssyncadd.s32 $0xFFFFCE00  }
0xc9: {  	[tilespmem:s17], [sflag:$0x1] =	stream.indirect.gather [hbm4b:s3+s16], $0x40, s12, s16, $0xb8;
	[tilespmem:$0x1F400] =	vst v63  }
0xca: {  	_ =	swait.ge [sflag:s0], $0x3200  }
0xcb: {  	[sflag:s0] =	ssyncset.done $0x0  }
0xcc: {  	s15 =	sadd.s32 $0x1900, s13;
	[sflag:s0] =	ssyncadd.s32 $0xFFFFCE00  }
0xcd: {  	[hbm4b:s15+s2] =	stream.linear.scatter [tilespmem:s23], [sflag:$0xD], $0x3200, $0x38;
	[tilespmem:$0x1F400] =	vst v63  }
0xce: {  	_ =	swait.ge [sflag:s19], $0x3200  }
0xcf: {  	[sflag:s19] =	ssyncset.done $0x0  }
0xd0: {  	s10 =	sadd.s32 $0x708, s8;
	[sflag:s19] =	ssyncadd.s32 $0xFFFFCE00  }
0xd1: {  	[tilespmem:s18], [sflag:$0x2] =	stream.indirect.gather [hbm4b:s3+s16], $0x40, s10, s16, $0xb8;
	[tilespmem:$0x1F400] =	vst v63  }
0xd2: {  	_ =	swait.ge [sflag:s21], $0x3200  }
0xd3: {  	[sflag:s21] =	ssyncset.done $0x0  }
0xd4: {  	s11 =	sadd.s32 $0x1F40, s13;
	[sflag:s21] =	ssyncadd.s32 $0xFFFFCE00  }
0xd5: {  	[hbm4b:s11+s2] =	stream.linear.scatter [tilespmem:s25], [sflag:$0xE], $0x3200, $0x38;
	[tilespmem:$0x1F400] =	vst v63  }
0xd6: {  	_ =	swait.ge [sflag:s4], $0x3200  }
0xd7: {  	[sflag:s4] =	ssyncset.done $0x0  }
0xd8: {  	s12 =	sadd.s32 $0x7D0, s8;
	[sflag:s4] =	ssyncadd.s32 $0xFFFFCE00  }
0xd9: {  	[tilespmem:s20], [sflag:$0x3] =	stream.indirect.gather [hbm4b:s3+s16], $0x40, s12, s16, $0xb8;
	[tilespmem:$0x1F400] =	vst v63  }
0xda: {  	_ =	swait.ge [sflag:s5], $0x3200  }
0xdb: {  	[sflag:s5] =	ssyncset.done $0x0  }
0xdc: {  	s15 =	sadd.s32 $0x2580, s13;
	[sflag:s5] =	ssyncadd.s32 $0xFFFFCE00  }
0xdd: {  	[hbm4b:s15+s2] =	stream.linear.scatter [tilespmem:s28], [sflag:$0xF], $0x3200, $0x38;
	[tilespmem:$0x1F400] =	vst v63  }
0xde: {  	_ =	swait.ge [sflag:s6], $0x3200  }
0xdf: {  	[sflag:s6] =	ssyncset.done $0x0  }
0xe0: {  	s8 =	sadd.s32 $0x898, s8;
	[sflag:s6] =	ssyncadd.s32 $0xFFFFCE00  }
0xe1: {  	[tilespmem:s22], [sflag:$0x4] =	stream.indirect.gather [hbm4b:s3+s16], $0x40, s8, s16, $0xb8;
	[tilespmem:$0x1F400] =	vst v63  }
0xe2: {  	_ =	swait.ge [sflag:s7], $0x3200  }
0xe3: {  	[sflag:s7] =	ssyncset.done $0x0  }
0xe4: {  	s9 =	sadd.s32 $0x2BC0, s13;
	[sflag:s7] =	ssyncadd.s32 $0xFFFFCE00  }
0xe5: {  	[hbm4b:s9+s2] =	stream.linear.scatter [tilespmem:s30], [sflag:$0x10], $0x3200, $0x38;
	[tilespmem:$0x1F400] =	vst v63  }
0xe6: {  	s9 =	simm.s32 $0xD  }
0xe7: {  	_ =	swait.ge [sflag:s9], $0x3200  }
0xe8: {  	[sflag:s9] =	ssyncset.done $0x0  }
0xe9: {  	s10 =	simm.s32 $0x60E0;
	[sflag:s9] =	ssyncadd.s32 $0xFFFFCE00  }
0xea: {  	[tilespmem:s23], [sflag:$0x5] =	stream.indirect.gather [hbm4b:s3+s16], $0x40, s10, s16, $0xb8;
	[tilespmem:$0x1F400] =	vst v63  }
0xeb: {  	_ =	swait.ge [sflag:s24], $0x3200  }
0xec: {  	[sflag:s24] =	ssyncset.done $0x0  }
0xed: {  	s10 =	simm.s32 $0xE;
	s11 =	rddreg [dreg:$0x5];
	[sflag:s24] =	ssyncadd.s32 $0xFFFFCE00  }
0xee: {  	[hbm4b:s11+s2] =	stream.linear.scatter [tilespmem:s17], [sflag:$0x9], $0x3200, $0x38;
	[tilespmem:$0x1F400] =	vst v63  }
0xef: {  	_ =	swait.ge [sflag:s10], $0x3200  }
0xf0: {  	[sflag:s10] =	ssyncset.done $0x0  }
0xf1: {  	s12 =	simm.s32 $0x61A8;
	[sflag:s10] =	ssyncadd.s32 $0xFFFFCE00  }
0xf2: {  	[tilespmem:s25], [sflag:$0x6] =	stream.indirect.gather [hbm4b:s3+s16], $0x40, s12, s16, $0xb8;
	[tilespmem:$0x1F400] =	vst v63  }
0xf3: {  	_ =	swait.ge [sflag:s26], $0x3200  }
0xf4: {  	[sflag:s26] =	ssyncset.done $0x0  }
0xf5: {  	s11 =	simm.s32 $0xF;
	s13 =	rddreg [dreg:$0x6];
	[sflag:s26] =	ssyncadd.s32 $0xFFFFCE00  }
0xf6: {  	[hbm4b:s13+s2] =	stream.linear.scatter [tilespmem:s18], [sflag:$0xA], $0x3200, $0x38;
	[tilespmem:$0x1F400] =	vst v63  }
0xf7: {  	_ =	swait.ge [sflag:s11], $0x3200  }
0xf8: {  	[sflag:s11] =	ssyncset.done $0x0  }
0xf9: {  	s15 =	simm.s32 $0x6270;
	[sflag:s11] =	ssyncadd.s32 $0xFFFFCE00  }
0xfa: {  	[tilespmem:s28], [sflag:$0x7] =	stream.indirect.gather [hbm4b:s3+s16], $0x40, s15, s16, $0xb8;
	[tilespmem:$0x1F400] =	vst v63  }
0xfb: {  	_ =	swait.ge [sflag:s29], $0x3200  }
0xfc: {  	[sflag:s29] =	ssyncset.done $0x0  }
0xfd: {  	s12 =	rddreg [dreg:$0x7];
	[sflag:s29] =	ssyncadd.s32 $0xFFFFCE00  }
0xfe: {  	[hbm4b:s12+s2] =	stream.linear.scatter [tilespmem:s20], [sflag:$0xB], $0x3200, $0x38;
	[tilespmem:$0x1F400] =	vst v63  }
0xff: {  	s12 =	simm.s32 $0x10  }
0x100: {  	_ =	swait.ge [sflag:s12], $0x3200  }
0x101: {  	[sflag:s12] =	ssyncset.done $0x0  }
0x102: {  	s13 =	simm.s32 $0x6338;
	[sflag:s12] =	ssyncadd.s32 $0xFFFFCE00  }
0x103: {  	[tilespmem:s30], [sflag:$0x8] =	stream.indirect.gather [hbm4b:s3+s16], $0x40, s13, s16, $0xb8;
	[tilespmem:$0x1F400] =	vst v63  }
0x104: {  	_ =	swait.ge [sflag:s31], $0x3200  }
0x105: {  	[sflag:s31] =	ssyncset.done $0x0  }
0x106: {  	s15 =	rddreg [dreg:$0x8];
	[sflag:s31] =	ssyncadd.s32 $0xFFFFCE00  }
0x107: {  	[hbm4b:s15+s2] =	stream.linear.scatter [tilespmem:s22], [sflag:$0xC], $0x3200, $0x38;
	[tilespmem:$0x1F400] =	vst v63  }
0x108: {  	_ =	swait.ge [sflag:s0], $0x3200  }
0x109: {  	[sflag:s0] =	ssyncset.done $0x0  }
0x10a: {  	s13 =	rddreg [dreg:$0x9];
	[sflag:s0] =	ssyncadd.s32 $0xFFFFCE00  }
0x10b: {  	[hbm4b:s13+s2] =	stream.linear.scatter [tilespmem:s23], [sflag:$0xD], $0x3200, $0x38;
	[tilespmem:$0x1F400] =	vst v63  }
0x10c: {  	_ =	swait.ge [sflag:s21], $0x3200  }
0x10d: {  	[sflag:s21] =	ssyncset.done $0x0  }
0x10e: {  	s15 =	rddreg [dreg:$0xa];
	[sflag:s21] =	ssyncadd.s32 $0xFFFFCE00  }
0x10f: {  	[hbm4b:s15+s2] =	stream.linear.scatter [tilespmem:s25], [sflag:$0xE], $0x3200, $0x38;
	[tilespmem:$0x1F400] =	vst v63  }
0x110: {  	_ =	swait.ge [sflag:s5], $0x3200  }
0x111: {  	[sflag:s5] =	ssyncset.done $0x0  }
0x112: {  	s13 =	rddreg [dreg:$0xb];
	[sflag:s5] =	ssyncadd.s32 $0xFFFFCE00  }
0x113: {  	[hbm4b:s13+s2] =	stream.linear.scatter [tilespmem:s28], [sflag:$0xF], $0x3200, $0x38;
	[tilespmem:$0x1F400] =	vst v63  }
0x114: {  	_ =	swait.ge [sflag:s7], $0x3200  }
0x115: {  	[sflag:s7] =	ssyncset.done $0x0  }
0x116: {  	s15 =	rddreg [dreg:$0xc];
	[sflag:s7] =	ssyncadd.s32 $0xFFFFCE00  }
0x117: {  	[hbm4b:s15+s2] =	stream.linear.scatter [tilespmem:s30], [sflag:$0x10], $0x3200, $0x38;
	[tilespmem:$0x1F400] =	vst v63  }
0x118: {  	_ =	swait.ge [sflag:s1], $0x3200  }
0x119: {  	[sflag:s1] =	ssyncset.done $0x0  }
0x11a: {  	[sflag:s1] =	ssyncadd.s32 $0xFFFFCE00  }
0x11b: {  	_ =	swait.ge [sflag:s19], $0x3200  }
0x11c: {  	[sflag:s19] =	ssyncset.done $0x0  }
0x11d: {  	[sflag:s19] =	ssyncadd.s32 $0xFFFFCE00  }
0x11e: {  	_ =	swait.ge [sflag:s4], $0x3200  }
0x11f: {  	[sflag:s4] =	ssyncset.done $0x0  }
0x120: {  	[sflag:s4] =	ssyncadd.s32 $0xFFFFCE00  }
0x121: {  	_ =	swait.ge [sflag:s6], $0x3200  }
0x122: {  	[sflag:s6] =	ssyncset.done $0x0  }
0x123: {  	[sflag:s6] =	ssyncadd.s32 $0xFFFFCE00  }
0x124: {  	_ =	swait.ge [sflag:s9], $0x3200  }
0x125: {  	[sflag:s9] =	ssyncset.done $0x0  }
0x126: {  	[sflag:s9] =	ssyncadd.s32 $0xFFFFCE00  }
0x127: {  	_ =	swait.ge [sflag:s10], $0x3200  }
0x128: {  	[sflag:s10] =	ssyncset.done $0x0  }
0x129: {  	[sflag:s10] =	ssyncadd.s32 $0xFFFFCE00  }
0x12a: {  	_ =	swait.ge [sflag:s11], $0x3200  }
0x12b: {  	[sflag:s11] =	ssyncset.done $0x0  }
0x12c: {  	[sflag:s11] =	ssyncadd.s32 $0xFFFFCE00  }
0x12d: {  	_ =	swait.ge [sflag:s12], $0x3200  }
0x12e: {  	s13 =	rddreg [dreg:$0xe]  }
0x12f: {  	s15 =	rddreg [dreg:$0xd];
	s9 =	sadd.s32 $0x1, s13  }
0x130: {  	p0 =	sne.s32 s9, s15  }
.Ltmp1:
0x131: {  	_ = 	snop;
	(pc) =	sbr.rel @p0 .LBB2_1-.Ltmp1, $3  }
0x132: {  	_ =	sdelay $0x1  }
0x133: {  	[sflag:s12] =	ssyncset.done $0x0  }
0x134: {  	[sflag:s12] =	ssyncadd.s32 $0xFFFFCE00  }
0x135: {  	_ =	sfence.sel $0x180000  }
0x136: {  	[bflag:$0x0] =	sbarrier.arrive $0xFFFF  }
0x137: {  	_ =	strace $0x90000047  }
0x138: {  	s0 =	stileid.u32;
	[bflag:$0x2] =	sbarrier.arrive $0xFFFF  }
0x139: {  	p0 =	sne.s32 s0, $0x0;
	s0 =	rddreg [dreg:$0x3]  }
0x13a: {  	s0 =	sadd.s32 @!p0 $0x100000, s0  }
0x13b: {  	[sflag:s0] =	ssyncadd.tile.s32 @!p0 $0x1;
	_ =	shalt  }
.Lfunc_end2:
_tile_overlayer_lowered:
.L_overlay_start_2:
0x13c: {  	(tag) =	ssettag $0x2  }
0x13d: {  	s0 =	rddreg [dreg:$0x0];
	s2 =	stileid.u32  }
0x13e: {  	s1 =	rddreg [dreg:$0x1];
	p0 =	sne.s32 s2, $0x0  }
0x13f: {  	s3 =	rddreg [dreg:$0x2];
	[bflag:$0x3] =	sbarrier.arrive $0xFFFF;
	s2 =	simm.s32 @!p0 $0x1C11  }
0x140: {  	[timem:s3], [sflag:s2] =	dma.local @!p0 [hbm:s0], s1  }
0x141: {  	s0 =	simm.s32 @!p0 $0x11  }
0x142: {  	_ =	swait.ge @!p0 [sflag:s0], s1  }
0x143: {  	s1 =	ssub.s32 @!p0 $0x0, s1;
	[sflag:s0] =	ssyncset.done @!p0 $0x0  }
0x144: {  	[sflag:s0] =	ssyncadd.s32 @!p0 s1  }
0x145: {  	[bflag:$0x3] =	sbarrier.arrive $0xFFFF  }
0x146: {  	_ =	shalt  }

// kernel: sparse-core-data-format-call.cloned.1.call-start
scs
called_computation_lowered:
.L_overlay_start_0:
0x0: {  	s2 =	sld [smem:$0x3FD9]  }
0x1: {  	s3 =	sld [smem:$0x3FFE];
	_ =	sdelay $0x1  }
0x2: {  	s1 =	srdreg.scid  }
0x3: {  	s0 =	sand.u32 $0x1, s1  }
0x4: {  	s18 =	sshll.u32 s0, $0xA;
	s2 =	sadd.s32 s3, s2  }
0x5: {  	s2 =	sadd.s32 s2, s18  }
0x6: {  	[smem:$0x3FC6] =	sst s2  }
0x7: {  	_ = 	snop  }
0x8: {  	s2 =	sld [smem:$0x3FD0];
	(tm) =	ssettm $0x1  }
0x9: {  	s19 =	sld [smem:$0x3FFB];
	_ =	sdelay $0x3  }
0xa: {  	_ =	strace s19  }
0xb: {  	s3 =	sld [smem:$0x3FFC];
	_ =	sdelay $0x3  }
0xc: {  	_ =	strace s3  }
0xd: {  	s3 =	sld [smem:$0x3FFD];
	_ =	sdelay $0x3  }
0xe: {  	_ =	strace s3  }
0xf: {  	_ =	strace $0x8FFFFFFF  }
0x10: {  	s20 =	sld [smem:$0x3FDB];
	_ =	sdelay $0x1  }
0x11: {  	s4 =	simm.s32 $_scs_section_size  }
0x12: {  	s5 =	simm.s32 $_size__tile_overlayer_lowered;
	s6 =	simm.s32 $_tile_overlayer_lowered  }
0x13: {  	s23 =	simm.s32 $0x1BFF;
	s22 =	sshll.u32 s6, $0x1;
	s3 =	sadd.s32 s4, s20  }
0x14: {  	s7 =	simm.s32 $0x0;
	s21 =	sshll.u32 s5, $0x1;
	s5 =	sadd.s32 s22, s3  }
0x15: {  	[timem:s7], [sflag:s23] =	dma.local [hbm:s5], s21  }
0x16: {  	_ =	swait.ge [sflag:s23], s21  }
0x17: {  	s4 =	ssub.s32 $0x0, s21;
	[sflag:s23] =	ssyncset.done $0x0  }
0x18: {  	[sflag:s23] =	ssyncadd.s32 s4;
	_ =	sdelay $0x1  }
0x19: {  	s24 =	simm.s32 $0x1B8B  }
0x1a: {  	_ =	swait.ge [sflag:s24], $0x1  }
0x1b: {  	[sflag:s24] =	ssyncset.done $0x0  }
0x1c: {  	s26 =	simm.s32 $0x1B8E;
	s25 =	sld [smem:$0x3FFE];
	[sflag:s24] =	ssyncadd.s32 $0xFFFFFFFF  }
0x1d: {  	s27 =	simm.s32 $execute0_lowered;
	[smem:$0x3FD2] =	sst s26  }
0x1e: {  	s5 =	sshll.u32 s27, $0x1;
	_ =	strace $0x80000049;
	[dreg:$0x1] =	wrdreg $0xFFFFFFFF  }
0x1f: {  	s28 =	simm.s32 $_size_execute0_lowered;
	s3 =	sadd.s32 s3, s5;
	[dreg:$0x0] =	wrdreg $0x0  }
0x20: {  	s5 =	sshll.u32 s28, $0x1;
	[dreg:$0x2] =	wrdreg s3  }
0x21: {  	[dreg:$0x3] =	wrdreg s5  }
0x22: {  	[dreg:$0x4] =	wrdreg $0xC0  }
0x23: {  	_ =	task [dreg:s7], $0x5FFFF  }
0x24: {  	[dreg:$0x1] =	wrdreg $0xFFFFFFFF  }
0x25: {  	[dreg:$0x0] =	wrdreg $0x60  }
0x26: {  	[dreg:$0x2] =	wrdreg s25  }
0x27: {  	[dreg:$0x3] =	wrdreg s2  }
0x28: {  	[dreg:$0x4] =	wrdreg $0x9  }
0x29: {  	_ =	task.clear_ibuf [dreg:s7], $0x5FFFF;
	_ =	strace $0x90000049  }
0x2a: {  	s29 =	simm.s32 $0x9;
	_ =	strace $0x8000004B  }
0x2b: {  	_ =	swait.ge [sflag:s29], $0x1  }
0x2c: {  	[sflag:s29] =	ssyncadd.s32 $0xFFFFFFFF  }
0x2d: {  	_ =	strace $0x9000004B  }
0x2e: {  	_ =	sfence  }
0x2f: {  	s30 =	sld [smem:$0x0];
	_ =	sdelay $0x2  }
0x30: {  	s31 =	sshll.u32 s1, $0xD;
	s1 =	sshrl.u32 s1, $0x2  }
0x31: {  	s3 =	sand.u32 $0x4000, s31;
	s1 =	sadd.s32 s1, s30  }
0x32: {  	s0 =	sor.u32 s3, s0;
	s1 =	sshll.u32 s1, $0x11  }
0x33: {  	s0 =	sor.u32 s1, s0  }
0x34: {  	s0 =	sadd.s32 $0x8F2B, s0  }
0x35: {  	[sflag:s0] =	ssyncadd.remote.s32 $0x1  }
0x36: {  	_ =	sfence.sel $0xFFFF  }
0x37: {  	[dreg:$0x0] =	wrdreg $0xFFFFFFFF;
	(pc) =	sbr.abs _section_cstart, $3  }
0x38: {  	[dreg:$0x1] =	wrdreg $0xFFFFFFFF  }
0x39: {  	_ =	task.clear_ibuf [dreg:s7], $0x2FFFF;
	_ =	strace $0x9FFFFFFF  }
0x3a: {  	(tm) =	ssettm $0x7FFFFFFF  }
0x3b: {  	_ =	shalt  }
tec
execute0_lowered:
.L_overlay_start_1:
0x0: {  	(tag) =	ssettag $0x1  }
0x1: {  	s0 =	srdreg.scid  }
0x2: {  	s1 =	sshll.u32 s0, $0x4  }
0x3: {  	s0 =	stileid.u32;
	s1 =	sand.u32 $0x10, s1  }
0x4: {  	s1 =	sor.u32 s0, s1  }
0x5: {  	s6 =	rddreg [dreg:$0x0];
	s4 =	simm.s32 $0x1;
	s2 =	sshll.u32 s1, $0x7  }
0x6: {  	s7 =	simm.s32 $0x2;
	s12 =	simm.s32 $0x0;
	s1 =	ssub.s32 $0x1000, s2  }
0x7: {  	s8 =	simm.s32 $0x8000;
	s13 =	simm.s32 $0x0;
	s3 =	sand.u32 $0xF80, s1  }
0x8: {  	s9 =	simm.s32 $0x0;
	s5 =	sshrl.u32 s1, $0xC;
	p0 =	sne.s32 s3, $0x0  }
.Ltmp0:
0x9: {  	s1 =	rddreg [dreg:$0x2];
	s4 =	simm.s32 @!p0 $0x0;
	(pc) =	sbr.rel .LBB1_1-.Ltmp0, $4  }
0xa: {  	s11 =	simm.s32 $0x0;
	s3 =	rddreg [dreg:$0x1];
	s5 =	sadd.s32 s4, s5  }
0xb: {  	_ =	strace $0x8000004A;
	s4 =	simm.s32 $0x1;
	s5 =	smul.u32 $0xC8, s5  }
0xc: {  	s6 =	sadd.s32 $0x800, s6;
	s10 =	smov.u32 s2;
	[sflag:s4] =	ssyncpa.u1 $0x0  }
0xd: {  	p0 =	por $0x0, $0x0;
	[sflag:s7] =	ssyncpa.u1 $0x0;
	s7 =	sor.u32 $0x1, s5  }
.LBB1_4:
0xe: {  	s16 =	sshll.u32 s13, $0x3;
	s17 =	sand.u32 $0x78, s13  }
0xf: {  	s30 =	sand.u32 $0x7E00, s13;
	s12 =	sshll.u32 s12, $0xF;
	s16 =	sand.u32 $0xC00, s16  }
0x10: {  	[tilespmem:s15+$0x810 ss:$0x81] =	vst.msk $0xffff, v2;
	s31 =	sand.u32 $0x7, s13;
	s16 =	sor.u32 s17, s16;
	s17 =	sadd.s32 s3, s30  }
0x11: {  	[tilespmem:s15+$0x1020 ss:$0x81] =	vst.msk $0xffff, v0;
	s13 =	sshll.u32 s31, $0x12;
	s12 =	sadd.s32 s12, s17;
	s16 =	sshrl.u32 s16, $0x3  }
0x12: {  	[tilespmem:s15+$0x0 ss:$0x81] =	vst.msk $0xffff, v1;
	s13 =	sor.u32 $0x400, s13;
	s12 =	sadd.s32 s16, s12  }
0x13: {  	[hbm4b:s12+s13] =	stream.strided.scatter [tilespmem:s14], [sflag:$0x2], $0x2000, s8, s13, $0x20;
	[tilespmem:$0x8080] =	vst v63  }
.LBB1_5:
0x14: {  	s14 =	sadd.s32 $0x1, s9  }
0x15: {  	s12 =	sadd.s32 $0x1000, s10;
	s16 =	smov.u32 s10;
	p2 =	sgt.s32 s14, $0xC7  }
0x16: {  	s16 =	smov.u32 @p2 s12  }
0x17: {  	s14 =	simm.s32 @p2 $0x0;
	p2 =	sgt.s32 s16, $0xFFF  }
0x18: {  	s16 =	smov.u32 @p2 s2;
	p2 =	sne.s32 s11, s7  }
.Ltmp1:
0x19: {  	p1 =	slt.u32 s11, $0x2;
	(pc) =	sbr.rel @!p2 .LBB1_6-.Ltmp1, $4  }
0x1a: {  	s15 =	simm.s32 @!p1 $0x2  }
0x1b: {  	s13 =	smov.u32 s10;
	p0 =	por !p0, !p0;
	_ =	swait.ge @!p1 [sflag:s15], $0x2000  }
0x1c: {  	s12 =	smov.u32 s9;
	[sflag:s15] =	ssyncset.done @!p1 $0x0;
	s9 =	smov.u32 s14  }
0x1d: {  	s11 =	sadd.s32 $0x1, s11;
	[sflag:s15] =	ssyncadd.s32 @!p1 $0xFFFFE000;
	s10 =	smov.u32 s16  }
.LBB1_1:
0x1e: {  	p1 =	sge.u32 s11, s5  }
0x1f: {  	s14 =	sand.u32 @!p1 $0x1FFFFFF, s9  }
0x20: {  	s15 =	smulhi.u32 @!p1 $0x147AE15, s14;
	_ =	sdelay $0x1  }
0x21: {  	s15 =	smul.u32 @!p1 $0xC8, s15  }
0x22: {  	s16 =	sxor.u32 @!p1 $0xFFFFFFFF, s11;
	s17 =	smul.u32 @!p1 $0xC80, s10  }
0x23: {  	s31 =	sadd.s32 $0xFFFFFFFF, s11;
	s16 =	sshll.u32 @!p1 s16, $0xD;
	s14 =	ssub.s32 @!p1 s14, s15  }
0x24: {  	s15 =	sand.u32 @!p1 $0x2000, s16;
	s16 =	sadd.s32 @!p1 s6, s17;
	s14 =	sshll.u32 @!p1 s14, $0x4  }
0x25: {  	s17 =	simm.s32 @!p1 $0x6400;
	s14 =	sadd.s32 @!p1 s14, s16;
	s16 =	simm.s32 @!p1 $0x40  }
0x26: {  	[tilespmem:s15], [sflag:$0x1] =	stream.strided.gather @!p1 [hbm4b:s14+s16], $0x2000, s17, s16, $0x38;
	[tilespmem:$0x8080] =	vst v63  }
0x27: {  	p1 =	sge.u32 s31, s5  }
.Ltmp2:
0x28: {  	_ = 	snop;
	(pc) =	sbr.rel @p1 .LBB1_5-.Ltmp2, $1  }
0x29: {  	_ =	sdelay $0x3  }
0x2a: {  	s14 =	simm.s32 $0x1  }
0x2b: {  	_ =	swait.ge [sflag:s4], $0x2000;
	s14 =	simm.s32 @!p0 $0x0  }
0x2c: {  	[sflag:s4] =	ssyncset.done $0x0;
	s15 =	sshll.u32 s14, $0xD  }
0x2d: {  	[sflag:s4] =	ssyncadd.s32 $0xFFFFE000;
	s18 =	sor.u32 $0x20, s15  }
0x2e: {  	s14 =	smul.u32 $0x8100, s14;
	v3 =	vld [tilespmem:s18+$0x10]  }
0x2f: {  	s30 =	sand.u32 $0x1, s11;
	v2 =	vld [tilespmem:s18+$0xFFFFFFF0]  }
0x30: {  	s15 =	smul.u32 $0x8100, s30;
	s14 =	sshrl.u32 s14, $0x2;
	v0 =	vld [tilespmem:s18+$0x0]  }
0x31: {  	v1 =	vld [tilespmem:s18+$0xFFFFFFE0];
	s16 =	sor.u32 $0x4000, s14  }
0x32: {  	s31 =	sshrl.u32 s15, $0x2;
	s15 =	sadd.s32 $0x0, s16  }
0x33: {  	s17 =	simm.s32 $0x4;
	s18 =	sadd.s32 $0x40, s18;
	s14 =	sor.u32 $0x4000, s31;
	[tilespmem:s15+$0x1830 ss:$0x81] =	vst.msk $0xffff, v3  }
.LBB1_3:
0x34: {  	v3 =	vld [tilespmem:s18+$0x10];
	p1 =	sne.s32 s17, $0x1FC;
	[tilespmem:s15+$0x810 ss:$0x81] =	vst.msk $0xffff, v2;
	s19 =	smov.u32 s17;
	s17 =	sadd.s32 $0x4, s17  }
.Ltmp3:
0x35: {  	v2 =	vld [tilespmem:s18+$0xFFFFFFF0];
	[tilespmem:s15+$0x1020 ss:$0x81] =	vst.msk $0xffff, v0;
	(pc) =	sbr.rel @p1 .LBB1_3-.Ltmp3, $4  }
0x36: {  	v0 =	vld [tilespmem:s18+$0x0];
	[tilespmem:s15+$0x0 ss:$0x81] =	vst.msk $0xffff, v1  }
0x37: {  	s15 =	sshra.s32 s19, $0x2;
	v1 =	vld [tilespmem:s18+$0xFFFFFFE0]  }
0x38: {  	s15 =	sadd.s32 s15, s16  }
0x39: {  	s18 =	sadd.s32 $0x40, s18;
	[tilespmem:s15+$0x1830 ss:$0x81] =	vst.msk $0xffff, v3  }
.Ltmp4:
0x3a: {  	_ = 	snop;
	(pc) =	sbr.rel .LBB1_4-.Ltmp4, $1  }
0x3b: {  	_ =	sdelay $0x3  }
.LBB1_6:
0x3c: {  	_ =	sfence.sel $0x180000  }
0x3d: {  	s2 =	simm.s32 $0x1;
	[bflag:$0x0] =	sbarrier.arrive $0xFFFF  }
0x3e: {  	s31 =	simm.s32 $0x2;
	[sflag:s2] =	ssyncpa.u1 $0x1  }
0x3f: {  	[sflag:s31] =	ssyncpa.u1 $0x1  }
0x40: {  	p0 =	sne.s32 s0, $0x0;
	_ =	strace $0x9000004A  }
0x41: {  	s0 =	sadd.s32 @!p0 $0x100000, s1;
	[bflag:$0x2] =	sbarrier.arrive $0xFFFF  }
0x42: {  	[sflag:s0] =	ssyncadd.tile.s32 @!p0 $0x1;
	_ =	shalt  }
.Lfunc_end1:
_tile_overlayer_lowered:
.L_overlay_start_2:
0x43: {  	(tag) =	ssettag $0x2  }
0x44: {  	s0 =	rddreg [dreg:$0x0];
	s2 =	stileid.u32  }
0x45: {  	s1 =	rddreg [dreg:$0x1];
	p0 =	sne.s32 s2, $0x0  }
0x46: {  	s3 =	rddreg [dreg:$0x2];
	[bflag:$0x3] =	sbarrier.arrive $0xFFFF;
	s2 =	simm.s32 @!p0 $0x1C01  }
0x47: {  	[timem:s3], [sflag:s2] =	dma.local @!p0 [hbm:s0], s1  }
0x48: {  	s0 =	simm.s32 @!p0 $0x1  }
0x49: {  	_ =	swait.ge @!p0 [sflag:s0], s1  }
0x4a: {  	s1 =	ssub.s32 @!p0 $0x0, s1;
	[sflag:s0] =	ssyncset.done @!p0 $0x0  }
0x4b: {  	[sflag:s0] =	ssyncadd.s32 @!p0 s1  }
0x4c: {  	[bflag:$0x3] =	sbarrier.arrive $0xFFFF  }
0x4d: {  	_ =	shalt  }

</sc_bundles>
